<compile_context>
chip_gen: v7x
topology: tpu7x:2x2x1
jax: 0.10.2.dev20260603
libtpu: 0.0.44.dev20260713+nightly
codegen_flags: <defaults>
</compile_context>

<pallas_src>
import jax
import jax.numpy as jnp
from jax import lax
from jax.experimental import pallas as pl
from jax.experimental.pallas import tpu as pltpu
from jax.experimental.pallas import tpu_sc as plsc

N_NODES = 10000
D_FEAT = 128
N_EDGES = 320000
M_ITEMS = 1000
EMB = 64
B = 4096

NC = 2
NS = 16
NW = NC * NS
CH = 128
EW = N_EDGES // NW
NCH_F = 100
NCH_S = 58
NCH = NCH_F
E_PAD = NS * (NCH_F + NCH_S) * CH
N_ACC = N_NODES + 112
ROWS_PER_TILE = N_ACC // NS


def _f32(x):
    return x.astype(jnp.float32)


def _make_edge_agg(with_cnt: bool):
    mesh = plsc.VectorSubcoreMesh(core_axis_name="c", subcore_axis_name="s")
    out_type = [jax.ShapeDtypeStruct((NC, N_ACC, EMB), jnp.float32)]
    scratch = [
        pltpu.VMEM((NCH, CH), jnp.int32),
        pltpu.VMEM((NCH, CH), jnp.int32),
        pltpu.VMEM((CH, EMB), jnp.float32),
        pltpu.VMEM((CH, EMB), jnp.float32),
        pltpu.VMEM_SHARED((N_ACC, EMB), jnp.float32),
        pltpu.SemaphoreType.DMA,
        pltpu.SemaphoreType.DMA,
    ]
    if with_cnt:
        out_type.append(jax.ShapeDtypeStruct((NC, N_ACC, 16), jnp.float32))
        scratch += [
            pltpu.VMEM((CH, 16), jnp.float32),
            pltpu.VMEM_SHARED((N_ACC, 16), jnp.float32),
        ]

    def body(p_hbm, src_hbm, dst_hbm, z64_hbm, z16_hbm, ones_hbm, *refs):
        if with_cnt:
            out_hbm, cnt_hbm = refs[0], refs[1]
            refs = refs[2:]
        else:
            out_hbm = refs[0]
            refs = refs[1:]
        (src_v, dst_v, rows_a, rows_b, acc_s, gsem_a, gsem_b) = refs[:7]
        if with_cnt:
            ones_v, cnt_s = refs[7], refs[8]
        c = lax.axis_index("c")
        s = lax.axis_index("s")
        wid = s * NC + c
        r0 = s * ROWS_PER_TILE
        pltpu.sync_copy(z64_hbm.at[pl.ds(r0, ROWS_PER_TILE)],
                        acc_s.at[pl.ds(r0, ROWS_PER_TILE)])
        if with_cnt:
            pltpu.sync_copy(z16_hbm.at[pl.ds(r0, ROWS_PER_TILE)],
                            cnt_s.at[pl.ds(r0, ROWS_PER_TILE)])
            pltpu.sync_copy(ones_hbm, ones_v)
        pltpu.sync_copy(src_hbm.at[wid], src_v)
        pltpu.sync_copy(dst_hbm.at[wid], dst_v)
        plsc.subcore_barrier()

        def gather(j, rows, sem):
            pltpu.async_copy(p_hbm.at[src_v.at[j]], rows, sem)

        def gwait(j, rows, sem):
            pltpu.make_async_copy(p_hbm.at[src_v.at[j]], rows, sem).wait()

        def scatter(j, rows):
            pltpu.sync_copy(rows, acc_s.at[dst_v.at[j]], add=True)
            if with_cnt:
                pltpu.sync_copy(ones_v, cnt_s.at[dst_v.at[j]], add=True)

        gather(0, rows_a, gsem_a)

        def run_edges(nch):
            def step(k, carry):
                ja = 2 * k
                jb = 2 * k + 1
                gather(jb, rows_b, gsem_b)
                gwait(ja, rows_a, gsem_a)
                scatter(ja, rows_a)

                @pl.when(ja + 2 < nch)
                def _():
                    gather(ja + 2, rows_a, gsem_a)

                gwait(jb, rows_b, gsem_b)
                scatter(jb, rows_b)
                return carry

            lax.fori_loop(0, nch // 2, step, 0)

        lax.cond(c == 0, lambda: run_edges(NCH_S),
                 lambda: run_edges(NCH_F))
        plsc.subcore_barrier()
        pltpu.sync_copy(acc_s.at[pl.ds(r0, ROWS_PER_TILE)],
                        out_hbm.at[c, pl.ds(r0, ROWS_PER_TILE)])
        if with_cnt:
            pltpu.sync_copy(cnt_s.at[pl.ds(r0, ROWS_PER_TILE)],
                            cnt_hbm.at[c, pl.ds(r0, ROWS_PER_TILE)])

    return pl.kernel(body, out_type=tuple(out_type), mesh=mesh,
                     scratch_types=scratch,
                     compiler_params=pltpu.CompilerParams(
                         use_tc_tiling_on_sc=False))


_edge_agg_cnt = _make_edge_agg(True)
_edge_agg = _make_edge_agg(False)


_BG = B // NW


def _gather4_body(a2, t2, t3, x_hbm, o0, o1, o2, o3,
                  idx_v, b0, b1, b2, b3, sem):
    t0 = a2.at[0]
    t1 = a2.at[1]
    c = lax.axis_index("c")
    s = lax.axis_index("s")
    base = (s * NC + c) * _BG
    pltpu.sync_copy(x_hbm.at[pl.ds(base, _BG)], idx_v)
    pltpu.async_copy(t0.at[idx_v], b0, sem)
    pltpu.async_copy(t1.at[idx_v], b1, sem)
    pltpu.async_copy(t2.at[idx_v], b2, sem)
    pltpu.async_copy(t3.at[idx_v], b3, sem)
    pltpu.make_async_copy(t0.at[idx_v], b0, sem).wait()
    pltpu.make_async_copy(t1.at[idx_v], b1, sem).wait()
    pltpu.make_async_copy(t2.at[idx_v], b2, sem).wait()
    pltpu.make_async_copy(t3.at[idx_v], b3, sem).wait()
    pltpu.sync_copy(b0, o0.at[pl.ds(base, _BG)])
    pltpu.sync_copy(b1, o1.at[pl.ds(base, _BG)])
    pltpu.sync_copy(b2, o2.at[pl.ds(base, _BG)])
    pltpu.sync_copy(b3, o3.at[pl.ds(base, _BG)])


_gather4 = pl.kernel(
    _gather4_body,
    out_type=(
        jax.ShapeDtypeStruct((B, EMB), jnp.float32),
        jax.ShapeDtypeStruct((B, EMB), jnp.float32),
        jax.ShapeDtypeStruct((B, EMB), jnp.float32),
        jax.ShapeDtypeStruct((B, 16), jnp.float32),
    ),
    mesh=plsc.VectorSubcoreMesh(core_axis_name="c", subcore_axis_name="s"),
    scratch_types=[
        pltpu.VMEM((_BG,), jnp.int32),
        pltpu.VMEM((_BG, EMB), jnp.float32),
        pltpu.VMEM((_BG, EMB), jnp.float32),
        pltpu.VMEM((_BG, EMB), jnp.float32),
        pltpu.VMEM((_BG, 16), jnp.float32),
        pltpu.SemaphoreType.DMA,
    ],
    compiler_params=pltpu.CompilerParams(use_tc_tiling_on_sc=False),
)


_RB = 1000


def _dgT(x, w):
    return lax.dot_general(x, w, (((1,), (1,)), ((), ())),
                           preferred_element_type=jnp.float32)


def _pre_body(nx_ref, w1l_ref, w1r_ref, p1_ref, xr_ref):
    nx = nx_ref[...]
    p1_ref[...] = _dgT(nx, w1l_ref[...])
    xr_ref[...] = _dgT(nx, w1r_ref[...])


def _tc_pre(node_x, w1l, w1r):
    n = node_x.shape[0]
    grid = (n // _RB,)
    return pl.pallas_call(
        _pre_body,
        grid=grid,
        in_specs=[
            pl.BlockSpec((_RB, D_FEAT), lambda i: (i, 0)),
            pl.BlockSpec((EMB, D_FEAT), lambda i: (0, 0)),
            pl.BlockSpec((EMB, D_FEAT), lambda i: (0, 0)),
        ],
        out_specs=[
            pl.BlockSpec((_RB, EMB), lambda i: (i, 0)),
            pl.BlockSpec((_RB, EMB), lambda i: (i, 0)),
        ],
        out_shape=[
            jax.ShapeDtypeStruct((n, EMB), jnp.float32),
            jax.ShapeDtypeStruct((n, EMB), jnp.float32),
        ],
    )(node_x, w1l, w1r)


def _renc_body(rat_ref, wenc_ref, renc_ref):
    renc_ref[...] = _dgT(rat_ref[...], wenc_ref[...])


def _tc_renc(rating_mat, wenc):
    n = rating_mat.shape[0]
    grid = (n // _RB,)
    return pl.pallas_call(
        _renc_body,
        grid=grid,
        in_specs=[
            pl.BlockSpec((_RB, M_ITEMS), lambda i: (i, 0)),
            pl.BlockSpec((EMB, M_ITEMS), lambda i: (0, 0)),
        ],
        out_specs=pl.BlockSpec((_RB, EMB), lambda i: (i, 0)),
        out_shape=jax.ShapeDtypeStruct((n, EMB), jnp.float32),
    )(rating_mat, wenc)


def _mid_body(agg_ref, cnt_ref, xr_ref, mask2_ref, renc_ref, b1l_ref,
              bias_ref, w2l_ref, w2r_ref, p2_ref, hrb_ref, csum_ref):
    a = agg_ref[0] + agg_ref[1]
    csum = cnt_ref[0] + cnt_ref[1]
    mean = a / jnp.maximum(csum[:, 0:1], 1.0)
    h = jnp.maximum(mean + b1l_ref[...] + xr_ref[...], 0.0) * mask2_ref[...]
    p2_ref[...] = _dgT(h, w2l_ref[...])
    hrb_ref[...] = (_dgT(h, w2r_ref[...]) + renc_ref[...] + bias_ref[...])
    csum_ref[...] = csum


def _tc_mid(agg1, cnt, xr, mask2, renc, b1l, bias, w2l, w2r):
    n = xr.shape[0]
    grid = (n // _RB,)
    return pl.pallas_call(
        _mid_body,
        grid=grid,
        in_specs=[
            pl.BlockSpec((NC, _RB, EMB), lambda i: (0, i, 0)),
            pl.BlockSpec((NC, _RB, 16), lambda i: (0, i, 0)),
            pl.BlockSpec((_RB, EMB), lambda i: (i, 0)),
            pl.BlockSpec((_RB, EMB), lambda i: (i, 0)),
            pl.BlockSpec((_RB, EMB), lambda i: (i, 0)),
            pl.BlockSpec((1, EMB), lambda i: (0, 0)),
            pl.BlockSpec((1, EMB), lambda i: (0, 0)),
            pl.BlockSpec((EMB, EMB), lambda i: (0, 0)),
            pl.BlockSpec((EMB, EMB), lambda i: (0, 0)),
        ],
        out_specs=[
            pl.BlockSpec((_RB, EMB), lambda i: (i, 0)),
            pl.BlockSpec((_RB, EMB), lambda i: (i, 0)),
            pl.BlockSpec((_RB, 16), lambda i: (i, 0)),
        ],
        out_shape=[
            jax.ShapeDtypeStruct((n, EMB), jnp.float32),
            jax.ShapeDtypeStruct((n, EMB), jnp.float32),
            jax.ShapeDtypeStruct((n, 16), jnp.float32),
        ],
    )(agg1, cnt, xr, mask2, renc, b1l, bias, w2l, w2r)


_DB = 512


def _dec_body(a0_ref, a1_ref, hx_ref, cx_ref, wdec_ref, bdec_ref, out_ref):
    mean = ((a0_ref[...] + a1_ref[...])
            / jnp.maximum(cx_ref[:, 0:1], 1.0))
    t = jax.nn.sigmoid(mean + hx_ref[...])
    y = _dgT(t, wdec_ref[...])
    out_ref[...] = jax.nn.sigmoid(y + bdec_ref[...])


def _tc_dec(a0x, a1x, hx, cx, wdec, bdec):
    grid = (B // _DB,)
    return pl.pallas_call(
        _dec_body,
        grid=grid,
        in_specs=[
            pl.BlockSpec((_DB, EMB), lambda i: (i, 0)),
            pl.BlockSpec((_DB, EMB), lambda i: (i, 0)),
            pl.BlockSpec((_DB, EMB), lambda i: (i, 0)),
            pl.BlockSpec((_DB, 16), lambda i: (i, 0)),
            pl.BlockSpec((M_ITEMS, EMB), lambda i: (0, 0)),
            pl.BlockSpec((1, M_ITEMS), lambda i: (0, 0)),
        ],
        out_specs=pl.BlockSpec((_DB, M_ITEMS), lambda i: (i, 0)),
        out_shape=jax.ShapeDtypeStruct((B, M_ITEMS), jnp.float32),
    )(a0x, a1x, hx, cx, wdec, bdec)


def kernel(x, rating_mat, node_x, edge_index, user_table,
           w1l, b1l, w1r, w2l, b2l, w2r,
           w_enc, b_enc, w_dec, b_dec):
    del user_table
    x = x.astype(jnp.int32)
    src = edge_index[0].astype(jnp.int32)
    dst = edge_index[1].astype(jnp.int32)
    pad = E_PAD - N_EDGES
    pad_dst = N_NODES + jnp.arange(pad, dtype=jnp.int32) % (N_ACC - N_NODES)

    def slabs(flat):
        ch = flat.reshape(-1, CH)
        fast = ch[:NS * NCH_F].reshape(NS, NCH_F, CH)
        slow = ch[NS * NCH_F:].reshape(NS, NCH_S, CH)
        slow = jnp.concatenate(
            [slow, jnp.zeros((NS, NCH_F - NCH_S, CH), jnp.int32)], axis=1)
        return jnp.stack([slow, fast], axis=1).reshape(NW, NCH_F, CH)

    src_p = slabs(jnp.concatenate([src, jnp.zeros((pad,), jnp.int32)]))
    dst_p = slabs(jnp.concatenate([dst, pad_dst]))
    z64 = jnp.zeros((N_ACC, EMB), jnp.float32)
    z16 = jnp.zeros((N_ACC, 16), jnp.float32)
    ones = jnp.ones((CH, 16), jnp.float32)

    keep = jax.random.bernoulli(jax.random.key(42), 0.5, (N_NODES, EMB))
    mask2 = keep.astype(jnp.float32) * 2.0

    p1, xr = _tc_pre(node_x, w1l, w1r)
    agg1, cnt = _edge_agg_cnt(p1, src_p, dst_p, z64, z16, ones)
    renc = _tc_renc(rating_mat, w_enc)
    bias = (b2l + b_enc).reshape(1, EMB)
    p2, hrb, csum = _tc_mid(agg1, cnt, xr, mask2, renc,
                            b1l.reshape(1, EMB), bias, w2l, w2r)
    (agg2,) = _edge_agg(p2, src_p, dst_p, z64, z16, ones)
    a0x, a1x, hx, cx = _gather4(agg2, hrb, csum, x)
    return _tc_dec(a0x, a1x, hx, cx, w_dec, b_dec.reshape(1, M_ITEMS))

# --- scband reference (transcript-rebuilt; emitter-appended) ---
"""Pipeline reference for scband-graph-ae-69277822484550 (READ-ONLY COPY).

The authoritative reference and input builder live on the scoring server;
editing this copy changes nothing except your own understanding.
"""

import jax, jax.numpy as jnp
import numpy as np

N_NODES = 10000
D_FEAT = 128
N_EDGES = 320000
M_ITEMS = 1000
EMB = 64          # embedding_size (output of graph / encoder)
HID = D_FEAT // 2 # hidden of sage1 = 64
B = 4096


def setup_inputs(seed: int = 0) -> dict:
    key = jax.random.key(seed)
    ks = jax.random.split(key, 16)
    x = jax.random.randint(ks[0], (B,), 0, N_NODES, dtype=jnp.int64) if jax.config.jax_enable_x64 else jax.random.randint(ks[0], (B,), 0, N_NODES)
    rating_mat = jax.random.uniform(ks[1], (N_NODES, M_ITEMS), dtype=jnp.float32)
    node_x = jax.random.normal(ks[2], (N_NODES, D_FEAT), dtype=jnp.float32)
    edge_index = jax.random.randint(ks[3], (2, N_EDGES), 0, N_NODES)
    # learned parameters
    user_table = jax.random.normal(ks[4], (N_NODES, EMB), dtype=jnp.float32) * 0.05
    w1l = jax.random.normal(ks[5], (HID, D_FEAT), dtype=jnp.float32) * (1.0 / np.sqrt(D_FEAT))
    b1l = jnp.zeros((HID,), dtype=jnp.float32)
    w1r = jax.random.normal(ks[6], (HID, D_FEAT), dtype=jnp.float32) * (1.0 / np.sqrt(D_FEAT))
    w2l = jax.random.normal(ks[7], (EMB, HID), dtype=jnp.float32) * (1.0 / np.sqrt(HID))
    b2l = jnp.zeros((EMB,), dtype=jnp.float32)
    w2r = jax.random.normal(ks[8], (EMB, HID), dtype=jnp.float32) * (1.0 / np.sqrt(HID))
    w_enc = jax.random.normal(ks[9], (EMB, M_ITEMS), dtype=jnp.float32) * (1.0 / np.sqrt(M_ITEMS))
    b_enc = jnp.zeros((EMB,), dtype=jnp.float32)
    w_dec = jax.random.normal(ks[10], (M_ITEMS, EMB), dtype=jnp.float32) * (1.0 / np.sqrt(EMB))
    b_dec = jnp.zeros((M_ITEMS,), dtype=jnp.float32)
    return {
        "x": x, "rating_mat": rating_mat, "node_x": node_x, "edge_index": edge_index,
        "user_table": user_table,
        "w1l": w1l, "b1l": b1l, "w1r": w1r,
        "w2l": w2l, "b2l": b2l, "w2r": w2r,
        "w_enc": w_enc, "b_enc": b_enc, "w_dec": w_dec, "b_dec": b_dec,
    }


def _sage_conv(feat, edge_index, w_l, b_l, w_r):
    # PyG SAGEConv with mean aggregation: lin_l(mean_j x_j) + lin_r(x_i)
    src = edge_index[0]
    dst = edge_index[1]
    msgs = feat[src]                                            # gather  [E, d]
    agg = jax.ops.segment_sum(msgs, dst, num_segments=feat.shape[0])   # scatter-add
    cnt = jax.ops.segment_sum(jnp.ones_like(dst, dtype=feat.dtype), dst, num_segments=feat.shape[0])
    mean = agg / jnp.clip(cnt, 1.0)[:, None]
    return mean @ w_l.T + b_l + feat @ w_r.T


def reference(x, rating_mat, node_x, edge_index, user_table,
              w1l, b1l, w1r, w2l, b2l, w2r,
              w_enc, b_enc, w_dec, b_dec):
    # items = rating_mat[x]
    items = jnp.take(rating_mat, x, axis=0)                     # [B, M]
    # encoder (dropout p=0.0 -> identity)
    embedding_ae = items @ w_enc.T + b_enc                      # [B, EMB]
    # embedding_user is computed in the original forward but never used
    embedding_user = jnp.take(user_table, x, axis=0)            # [B, EMB] (unused, faithful)
    # Graph (training path): sage1 -> relu -> dropout(p=0.5) -> sage2
    h = _sage_conv(node_x, edge_index, w1l, b1l, w1r)           # [N, HID]
    h = jax.nn.relu(h)
    keep = jax.random.bernoulli(jax.random.key(42), 0.5, h.shape).astype(h.dtype)
    h = h * keep / 0.5                                          # F.dropout training=True, p=0.5
    embeddings = _sage_conv(h, edge_index, w2l, b2l, w2r)       # [N, EMB]
    embedding_graph = jnp.take(embeddings, x, axis=0)           # [B, EMB]
    # method == 'add'
    out = jax.nn.sigmoid(embedding_graph + embedding_ae)
    out = jax.nn.sigmoid(out @ w_dec.T + b_dec)                 # decoder [B, M]
    return out

if __name__ == "__main__":
    import jax
    _d = setup_inputs()
    print(jax.jit(kernel)(*tuple(_d.values())))

</pallas_src>

<mosaic_0001>
#map = affine_map<(d0, d1) -> (0, 0)>
#map1 = affine_map<(d0, d1) -> (0, 0, 0)>
module attributes {stable_mosaic.version = 14 : i64} {
  func.func @body(%arg0: i32, %arg1: i32, %arg2: memref<10000x64xf32, #tpu.memory_space<hbm>>, %arg3: memref<32x100x128xi32, #tpu.memory_space<hbm>>, %arg4: memref<32x100x128xi32, #tpu.memory_space<hbm>>, %arg5: memref<10112x64xf32, #tpu.memory_space<hbm>>, %arg6: memref<10112x16xf32, #tpu.memory_space<hbm>>, %arg7: memref<128x16xf32, #tpu.memory_space<hbm>>, %arg8: memref<2x10112x64xf32, #tpu.memory_space<hbm>>, %arg9: memref<2x10112x16xf32, #tpu.memory_space<hbm>>, %arg10: memref<100x128xi32, #tpu.memory_space<vmem>>, %arg11: memref<100x128xi32, #tpu.memory_space<vmem>>, %arg12: memref<128x64xf32, #tpu.memory_space<vmem>>, %arg13: memref<128x64xf32, #tpu.memory_space<vmem>>, %arg14: memref<10112x64xf32, #tpu.memory_space<vmem_shared>>, %arg15: memref<!tpu.dma_semaphore, #tpu.memory_space<semaphore_mem>>, %arg16: memref<!tpu.dma_semaphore, #tpu.memory_space<semaphore_mem>>, %arg17: memref<128x16xf32, #tpu.memory_space<vmem>>, %arg18: memref<10112x16xf32, #tpu.memory_space<vmem_shared>>) attributes {dimension_semantics = [#tpu.dimension_semantics<core_parallel>, #tpu.dimension_semantics<subcore_parallel>], iteration_bounds = array<i64: 2, 16>, scalar_prefetch = 0 : i64, scratch_operands = 9 : i64, tpu.core_type = #tpu.core_type<sc_vector_subcore>, window_params = [{transform_indices = #map}, {transform_indices = #map1}, {transform_indices = #map1}, {transform_indices = #map}, {transform_indices = #map}, {transform_indices = #map}, {transform_indices = #map1}, {transform_indices = #map1}]} {
    %mul3A = arith.constant 2 : i32
    %mul3A_0 = arith.muli %arg1, %mul3A : i32
    %add3A = arith.addi %mul3A_0, %arg0 : i32
    %mul3A_1 = arith.constant 632 : i32
    %mul3A_2 = arith.muli %arg1, %mul3A_1 : i32
    "tpu.region"() ({
      %run_scoped3A = tpu.sem_alloc : memref<!tpu.dma_semaphore, #tpu.memory_space<semaphore_mem>>
      %dma_start3A_12 = arith.constant 0 : i32
      %dma_start3A_13 = tpu.memref_slice %arg14[%mul3A_2, %dma_start3A_12] : memref<10112x64xf32, #tpu.memory_space<vmem_shared>> -> memref<632x64xf32, #tpu.memory_space<vmem_shared>>
      %dma_start3A_14 = arith.constant 0 : i32
      %dma_start3A_15 = tpu.memref_slice %arg5[%mul3A_2, %dma_start3A_14] : memref<10112x64xf32, #tpu.memory_space<hbm>> -> memref<632x64xf32, #tpu.memory_space<hbm>>
      tpu.enqueue_dma source(%dma_start3A_15 : memref<632x64xf32, #tpu.memory_space<hbm>>) target(%dma_start3A_13 : memref<632x64xf32, #tpu.memory_space<vmem_shared>>) target_semaphore(%run_scoped3A : memref<!tpu.dma_semaphore, #tpu.memory_space<semaphore_mem>>)
      %dma_wait3A = arith.constant 0 : i32
      %dma_wait3A_16 = tpu.memref_slice %arg14[%mul3A_2, %dma_wait3A] : memref<10112x64xf32, #tpu.memory_space<vmem_shared>> -> memref<632x64xf32, #tpu.memory_space<vmem_shared>>
      %dma_wait3A_17 = arith.constant 0 : i32
      %dma_wait3A_18 = tpu.memref_slice %arg5[%mul3A_2, %dma_wait3A_17] : memref<10112x64xf32, #tpu.memory_space<hbm>> -> memref<632x64xf32, #tpu.memory_space<hbm>>
      tpu.wait_dma2 semaphore(%run_scoped3A : memref<!tpu.dma_semaphore, #tpu.memory_space<semaphore_mem>>) src(%dma_wait3A_18 : memref<632x64xf32, #tpu.memory_space<hbm>>) dst(%dma_wait3A_16 : memref<632x64xf32, #tpu.memory_space<vmem_shared>>)
      tpu.yield
    }) : () -> ()
    "tpu.region"() ({
      %run_scoped3A = tpu.sem_alloc : memref<!tpu.dma_semaphore, #tpu.memory_space<semaphore_mem>>
      %dma_start3A_12 = arith.constant 0 : i32
      %dma_start3A_13 = tpu.memref_slice %arg18[%mul3A_2, %dma_start3A_12] : memref<10112x16xf32, #tpu.memory_space<vmem_shared>> -> memref<632x16xf32, #tpu.memory_space<vmem_shared>>
      %dma_start3A_14 = arith.constant 0 : i32
      %dma_start3A_15 = tpu.memref_slice %arg6[%mul3A_2, %dma_start3A_14] : memref<10112x16xf32, #tpu.memory_space<hbm>> -> memref<632x16xf32, #tpu.memory_space<hbm>>
      tpu.enqueue_dma source(%dma_start3A_15 : memref<632x16xf32, #tpu.memory_space<hbm>>) target(%dma_start3A_13 : memref<632x16xf32, #tpu.memory_space<vmem_shared>>) target_semaphore(%run_scoped3A : memref<!tpu.dma_semaphore, #tpu.memory_space<semaphore_mem>>)
      %dma_wait3A = arith.constant 0 : i32
      %dma_wait3A_16 = tpu.memref_slice %arg18[%mul3A_2, %dma_wait3A] : memref<10112x16xf32, #tpu.memory_space<vmem_shared>> -> memref<632x16xf32, #tpu.memory_space<vmem_shared>>
      %dma_wait3A_17 = arith.constant 0 : i32
      %dma_wait3A_18 = tpu.memref_slice %arg6[%mul3A_2, %dma_wait3A_17] : memref<10112x16xf32, #tpu.memory_space<hbm>> -> memref<632x16xf32, #tpu.memory_space<hbm>>
      tpu.wait_dma2 semaphore(%run_scoped3A : memref<!tpu.dma_semaphore, #tpu.memory_space<semaphore_mem>>) src(%dma_wait3A_18 : memref<632x16xf32, #tpu.memory_space<hbm>>) dst(%dma_wait3A_16 : memref<632x16xf32, #tpu.memory_space<vmem_shared>>)
      tpu.yield
    }) : () -> ()
    "tpu.region"() ({
      %run_scoped3A = tpu.sem_alloc : memref<!tpu.dma_semaphore, #tpu.memory_space<semaphore_mem>>
      tpu.enqueue_dma source(%arg7 : memref<128x16xf32, #tpu.memory_space<hbm>>) target(%arg17 : memref<128x16xf32, #tpu.memory_space<vmem>>) target_semaphore(%run_scoped3A : memref<!tpu.dma_semaphore, #tpu.memory_space<semaphore_mem>>)
      tpu.wait_dma2 semaphore(%run_scoped3A : memref<!tpu.dma_semaphore, #tpu.memory_space<semaphore_mem>>) src(%arg7 : memref<128x16xf32, #tpu.memory_space<hbm>>) dst(%arg17 : memref<128x16xf32, #tpu.memory_space<vmem>>)
      tpu.yield
    }) : () -> ()
    "tpu.region"() ({
      %run_scoped3A = tpu.sem_alloc : memref<!tpu.dma_semaphore, #tpu.memory_space<semaphore_mem>>
      %dma_start3A_12 = arith.constant 0 : i32
      %dma_start3A_13 = arith.constant 0 : i32
      %dma_start3A_14 = tpu.memref_slice %arg3[%add3A, %dma_start3A_12, %dma_start3A_13] : memref<32x100x128xi32, #tpu.memory_space<hbm>> -> memref<1x100x128xi32, #tpu.memory_space<hbm>>
      %dma_start3A_15 = tpu.memref_squeeze %dma_start3A_14 : memref<1x100x128xi32, #tpu.memory_space<hbm>> -> memref<100x128xi32, #tpu.memory_space<hbm>>
      %dma_start3A_16 = arith.constant 0 : i32
      %dma_start3A_17 = arith.constant 0 : i32
      %dma_start3A_18 = tpu.memref_slice %arg3[%add3A, %dma_start3A_16, %dma_start3A_17] : memref<32x100x128xi32, #tpu.memory_space<hbm>> -> memref<1x100x128xi32, #tpu.memory_space<hbm>>
      %dma_start3A_19 = tpu.memref_squeeze %dma_start3A_18 : memref<1x100x128xi32, #tpu.memory_space<hbm>> -> memref<100x128xi32, #tpu.memory_space<hbm>>
      tpu.enqueue_dma source(%dma_start3A_19 : memref<100x128xi32, #tpu.memory_space<hbm>>) target(%arg10 : memref<100x128xi32, #tpu.memory_space<vmem>>) target_semaphore(%run_scoped3A : memref<!tpu.dma_semaphore, #tpu.memory_space<semaphore_mem>>)
      %dma_wait3A = arith.constant 0 : i32
      %dma_wait3A_20 = arith.constant 0 : i32
      %dma_wait3A_21 = tpu.memref_slice %arg3[%add3A, %dma_wait3A, %dma_wait3A_20] : memref<32x100x128xi32, #tpu.memory_space<hbm>> -> memref<1x100x128xi32, #tpu.memory_space<hbm>>
      %dma_wait3A_22 = tpu.memref_squeeze %dma_wait3A_21 : memref<1x100x128xi32, #tpu.memory_space<hbm>> -> memref<100x128xi32, #tpu.memory_space<hbm>>
      %dma_wait3A_23 = arith.constant 0 : i32
      %dma_wait3A_24 = arith.constant 0 : i32
      %dma_wait3A_25 = tpu.memref_slice %arg3[%add3A, %dma_wait3A_23, %dma_wait3A_24] : memref<32x100x128xi32, #tpu.memory_space<hbm>> -> memref<1x100x128xi32, #tpu.memory_space<hbm>>
      %dma_wait3A_26 = tpu.memref_squeeze %dma_wait3A_25 : memref<1x100x128xi32, #tpu.memory_space<hbm>> -> memref<100x128xi32, #tpu.memory_space<hbm>>
      tpu.wait_dma2 semaphore(%run_scoped3A : memref<!tpu.dma_semaphore, #tpu.memory_space<semaphore_mem>>) src(%dma_wait3A_26 : memref<100x128xi32, #tpu.memory_space<hbm>>) dst(%arg10 : memref<100x128xi32, #tpu.memory_space<vmem>>)
      tpu.yield
    }) : () -> ()
    "tpu.region"() ({
      %run_scoped3A = tpu.sem_alloc : memref<!tpu.dma_semaphore, #tpu.memory_space<semaphore_mem>>
      %dma_start3A_12 = arith.constant 0 : i32
      %dma_start3A_13 = arith.constant 0 : i32
      %dma_start3A_14 = tpu.memref_slice %arg4[%add3A, %dma_start3A_12, %dma_start3A_13] : memref<32x100x128xi32, #tpu.memory_space<hbm>> -> memref<1x100x128xi32, #tpu.memory_space<hbm>>
      %dma_start3A_15 = tpu.memref_squeeze %dma_start3A_14 : memref<1x100x128xi32, #tpu.memory_space<hbm>> -> memref<100x128xi32, #tpu.memory_space<hbm>>
      %dma_start3A_16 = arith.constant 0 : i32
      %dma_start3A_17 = arith.constant 0 : i32
      %dma_start3A_18 = tpu.memref_slice %arg4[%add3A, %dma_start3A_16, %dma_start3A_17] : memref<32x100x128xi32, #tpu.memory_space<hbm>> -> memref<1x100x128xi32, #tpu.memory_space<hbm>>
      %dma_start3A_19 = tpu.memref_squeeze %dma_start3A_18 : memref<1x100x128xi32, #tpu.memory_space<hbm>> -> memref<100x128xi32, #tpu.memory_space<hbm>>
      tpu.enqueue_dma source(%dma_start3A_19 : memref<100x128xi32, #tpu.memory_space<hbm>>) target(%arg11 : memref<100x128xi32, #tpu.memory_space<vmem>>) target_semaphore(%run_scoped3A : memref<!tpu.dma_semaphore, #tpu.memory_space<semaphore_mem>>)
      %dma_wait3A = arith.constant 0 : i32
      %dma_wait3A_20 = arith.constant 0 : i32
      %dma_wait3A_21 = tpu.memref_slice %arg4[%add3A, %dma_wait3A, %dma_wait3A_20] : memref<32x100x128xi32, #tpu.memory_space<hbm>> -> memref<1x100x128xi32, #tpu.memory_space<hbm>>
      %dma_wait3A_22 = tpu.memref_squeeze %dma_wait3A_21 : memref<1x100x128xi32, #tpu.memory_space<hbm>> -> memref<100x128xi32, #tpu.memory_space<hbm>>
      %dma_wait3A_23 = arith.constant 0 : i32
      %dma_wait3A_24 = arith.constant 0 : i32
      %dma_wait3A_25 = tpu.memref_slice %arg4[%add3A, %dma_wait3A_23, %dma_wait3A_24] : memref<32x100x128xi32, #tpu.memory_space<hbm>> -> memref<1x100x128xi32, #tpu.memory_space<hbm>>
      %dma_wait3A_26 = tpu.memref_squeeze %dma_wait3A_25 : memref<1x100x128xi32, #tpu.memory_space<hbm>> -> memref<100x128xi32, #tpu.memory_space<hbm>>
      tpu.wait_dma2 semaphore(%run_scoped3A : memref<!tpu.dma_semaphore, #tpu.memory_space<semaphore_mem>>) src(%dma_wait3A_26 : memref<100x128xi32, #tpu.memory_space<hbm>>) dst(%arg11 : memref<100x128xi32, #tpu.memory_space<vmem>>)
      tpu.yield
    }) : () -> ()
    %barrier3A = arith.constant 0 : index
    tpu.barrier barrier_id(%barrier3A)
    %dma_start3A = arith.constant 0 : i32
    %dma_start3A_3 = arith.constant 0 : i32
    %dma_start3A_4 = tpu.memref_slice %arg10[%dma_start3A, %dma_start3A_3] : memref<100x128xi32, #tpu.memory_space<vmem>> -> memref<1x128xi32, #tpu.memory_space<vmem>>
    %dma_start3A_5 = tpu.memref_squeeze %dma_start3A_4 : memref<1x128xi32, #tpu.memory_space<vmem>> -> memref<128xi32, #tpu.memory_space<vmem>>
    %dma_start3A_6 = arith.constant 0 : i32
    %dma_start3A_7 = arith.constant 0 : i32
    %dma_start3A_8 = tpu.memref_slice %arg2[%dma_start3A_6, %dma_start3A_7] : memref<10000x64xf32, #tpu.memory_space<hbm>> -> memref<10000x64xf32, #tpu.memory_space<hbm>>
    tpu.enqueue_indirect_dma source(%dma_start3A_8 : memref<10000x64xf32, #tpu.memory_space<hbm>>) target(%arg12 : memref<128x64xf32, #tpu.memory_space<vmem>>) offsets(%dma_start3A_5 : memref<128xi32, #tpu.memory_space<vmem>>) semaphore(%arg15 : memref<!tpu.dma_semaphore, #tpu.memory_space<semaphore_mem>>)
    %eq3A = arith.constant 0 : i32
    %eq3A_9 = arith.cmpi eq, %arg0, %eq3A : i32
    %convert_element_type3A = arith.extui %eq3A_9 : i1 to i32
    %cond3A = arith.constant 0 : i32
    %cond3A_10 = arith.cmpi ne, %convert_element_type3A, %cond3A : i32
    scf.if %cond3A_10 {
      %scan3A = arith.constant 0 : i32
      %scan3A_12 = arith.constant 0 : i32
      %scan3A_13 = arith.constant 29 : i32
      %scan3A_14 = arith.addi %scan3A_12, %scan3A_13 : i32
      %scan3A_15 = arith.constant 1 : i32
      scf.for %scan3A_17 = %scan3A_12 to %scan3A_14 step %scan3A_15  : i32 {
        %mul3A_18 = arith.constant 2 : i32
        %mul3A_19 = arith.muli %mul3A_18, %scan3A_17 : i32
        %mul3A_20 = arith.constant 2 : i32
        %mul3A_21 = arith.muli %mul3A_20, %scan3A_17 : i32
        %add3A_22 = arith.constant 1 : i32
        %add3A_23 = arith.addi %mul3A_21, %add3A_22 : i32
        %dma_start3A_24 = arith.constant 0 : i32
        %dma_start3A_25 = tpu.memref_slice %arg10[%add3A_23, %dma_start3A_24] : memref<100x128xi32, #tpu.memory_space<vmem>> -> memref<1x128xi32, #tpu.memory_space<vmem>>
        %dma_start3A_26 = tpu.memref_squeeze %dma_start3A_25 : memref<1x128xi32, #tpu.memory_space<vmem>> -> memref<128xi32, #tpu.memory_space<vmem>>
        %dma_start3A_27 = arith.constant 0 : i32
        %dma_start3A_28 = arith.constant 0 : i32
        %dma_start3A_29 = tpu.memref_slice %arg2[%dma_start3A_27, %dma_start3A_28] : memref<10000x64xf32, #tpu.memory_space<hbm>> -> memref<10000x64xf32, #tpu.memory_space<hbm>>
        tpu.enqueue_indirect_dma source(%dma_start3A_29 : memref<10000x64xf32, #tpu.memory_space<hbm>>) target(%arg13 : memref<128x64xf32, #tpu.memory_space<vmem>>) offsets(%dma_start3A_26 : memref<128xi32, #tpu.memory_space<vmem>>) semaphore(%arg16 : memref<!tpu.dma_semaphore, #tpu.memory_space<semaphore_mem>>)
        %dma_wait3A = arith.constant 0 : i32
        %dma_wait3A_30 = tpu.memref_slice %arg10[%mul3A_19, %dma_wait3A] : memref<100x128xi32, #tpu.memory_space<vmem>> -> memref<1x128xi32, #tpu.memory_space<vmem>>
        %dma_wait3A_31 = tpu.memref_squeeze %dma_wait3A_30 : memref<1x128xi32, #tpu.memory_space<vmem>> -> memref<128xi32, #tpu.memory_space<vmem>>
        %dma_wait3A_32 = arith.constant 0 : i32
        %dma_wait3A_33 = arith.constant 0 : i32
        %dma_wait3A_34 = tpu.memref_slice %arg2[%dma_wait3A_32, %dma_wait3A_33] : memref<10000x64xf32, #tpu.memory_space<hbm>> -> memref<10000x64xf32, #tpu.memory_space<hbm>>
        tpu.wait_indirect_dma semaphore(%arg15 : memref<!tpu.dma_semaphore, #tpu.memory_space<semaphore_mem>>) src(%dma_wait3A_34 : memref<10000x64xf32, #tpu.memory_space<hbm>>) dst(%arg12 : memref<128x64xf32, #tpu.memory_space<vmem>>)
        "tpu.region"() ({
          %run_scoped3A = tpu.sem_alloc : memref<!tpu.dma_semaphore, #tpu.memory_space<semaphore_mem>>
          %dma_start3A_47 = arith.constant 0 : i32
          %dma_start3A_48 = tpu.memref_slice %arg11[%mul3A_19, %dma_start3A_47] : memref<100x128xi32, #tpu.memory_space<vmem>> -> memref<1x128xi32, #tpu.memory_space<vmem>>
          %dma_start3A_49 = tpu.memref_squeeze %dma_start3A_48 : memref<1x128xi32, #tpu.memory_space<vmem>> -> memref<128xi32, #tpu.memory_space<vmem>>
          %dma_start3A_50 = arith.constant 0 : i32
          %dma_start3A_51 = arith.constant 0 : i32
          %dma_start3A_52 = tpu.memref_slice %arg14[%dma_start3A_50, %dma_start3A_51] : memref<10112x64xf32, #tpu.memory_space<vmem_shared>> -> memref<10112x64xf32, #tpu.memory_space<vmem_shared>>
          tpu.enqueue_indirect_dma source(%arg12 : memref<128x64xf32, #tpu.memory_space<vmem>>) target(%dma_start3A_52 : memref<10112x64xf32, #tpu.memory_space<vmem_shared>>) offsets(%dma_start3A_49 : memref<128xi32, #tpu.memory_space<vmem>>) semaphore(%run_scoped3A : memref<!tpu.dma_semaphore, #tpu.memory_space<semaphore_mem>>) {add = true}
          %dma_wait3A_53 = arith.constant 0 : i32
          %dma_wait3A_54 = tpu.memref_slice %arg11[%mul3A_19, %dma_wait3A_53] : memref<100x128xi32, #tpu.memory_space<vmem>> -> memref<1x128xi32, #tpu.memory_space<vmem>>
          %dma_wait3A_55 = tpu.memref_squeeze %dma_wait3A_54 : memref<1x128xi32, #tpu.memory_space<vmem>> -> memref<128xi32, #tpu.memory_space<vmem>>
          %dma_wait3A_56 = arith.constant 0 : i32
          %dma_wait3A_57 = arith.constant 0 : i32
          %dma_wait3A_58 = tpu.memref_slice %arg14[%dma_wait3A_56, %dma_wait3A_57] : memref<10112x64xf32, #tpu.memory_space<vmem_shared>> -> memref<10112x64xf32, #tpu.memory_space<vmem_shared>>
          tpu.wait_indirect_dma semaphore(%run_scoped3A : memref<!tpu.dma_semaphore, #tpu.memory_space<semaphore_mem>>) src(%arg12 : memref<128x64xf32, #tpu.memory_space<vmem>>) dst(%dma_wait3A_58 : memref<10112x64xf32, #tpu.memory_space<vmem_shared>>)
          tpu.yield
        }) : () -> ()
        "tpu.region"() ({
          %run_scoped3A = tpu.sem_alloc : memref<!tpu.dma_semaphore, #tpu.memory_space<semaphore_mem>>
          %dma_start3A_47 = arith.constant 0 : i32
          %dma_start3A_48 = tpu.memref_slice %arg11[%mul3A_19, %dma_start3A_47] : memref<100x128xi32, #tpu.memory_space<vmem>> -> memref<1x128xi32, #tpu.memory_space<vmem>>
          %dma_start3A_49 = tpu.memref_squeeze %dma_start3A_48 : memref<1x128xi32, #tpu.memory_space<vmem>> -> memref<128xi32, #tpu.memory_space<vmem>>
          %dma_start3A_50 = arith.constant 0 : i32
          %dma_start3A_51 = arith.constant 0 : i32
          %dma_start3A_52 = tpu.memref_slice %arg18[%dma_start3A_50, %dma_start3A_51] : memref<10112x16xf32, #tpu.memory_space<vmem_shared>> -> memref<10112x16xf32, #tpu.memory_space<vmem_shared>>
          tpu.enqueue_indirect_dma source(%arg17 : memref<128x16xf32, #tpu.memory_space<vmem>>) target(%dma_start3A_52 : memref<10112x16xf32, #tpu.memory_space<vmem_shared>>) offsets(%dma_start3A_49 : memref<128xi32, #tpu.memory_space<vmem>>) semaphore(%run_scoped3A : memref<!tpu.dma_semaphore, #tpu.memory_space<semaphore_mem>>) {add = true}
          %dma_wait3A_53 = arith.constant 0 : i32
          %dma_wait3A_54 = tpu.memref_slice %arg11[%mul3A_19, %dma_wait3A_53] : memref<100x128xi32, #tpu.memory_space<vmem>> -> memref<1x128xi32, #tpu.memory_space<vmem>>
          %dma_wait3A_55 = tpu.memref_squeeze %dma_wait3A_54 : memref<1x128xi32, #tpu.memory_space<vmem>> -> memref<128xi32, #tpu.memory_space<vmem>>
          %dma_wait3A_56 = arith.constant 0 : i32
          %dma_wait3A_57 = arith.constant 0 : i32
          %dma_wait3A_58 = tpu.memref_slice %arg18[%dma_wait3A_56, %dma_wait3A_57] : memref<10112x16xf32, #tpu.memory_space<vmem_shared>> -> memref<10112x16xf32, #tpu.memory_space<vmem_shared>>
          tpu.wait_indirect_dma semaphore(%run_scoped3A : memref<!tpu.dma_semaphore, #tpu.memory_space<semaphore_mem>>) src(%arg17 : memref<128x16xf32, #tpu.memory_space<vmem>>) dst(%dma_wait3A_58 : memref<10112x16xf32, #tpu.memory_space<vmem_shared>>)
          tpu.yield
        }) : () -> ()
        %add3A_35 = arith.constant 2 : i32
        %add3A_36 = arith.addi %mul3A_19, %add3A_35 : i32
        %lt3A = arith.constant 58 : i32
        %lt3A_37 = arith.cmpi slt, %add3A_36, %lt3A : i32
        %convert_element_type3A_38 = arith.extui %lt3A_37 : i1 to i32
        %cond3A_39 = arith.constant 0 : i32
        %cond3A_40 = arith.cmpi ne, %convert_element_type3A_38, %cond3A_39 : i32
        scf.if %cond3A_40 {
          %add3A_47 = arith.constant 2 : i32
          %add3A_48 = arith.addi %mul3A_19, %add3A_47 : i32
          %dma_start3A_49 = arith.constant 0 : i32
          %dma_start3A_50 = tpu.memref_slice %arg10[%add3A_48, %dma_start3A_49] : memref<100x128xi32, #tpu.memory_space<vmem>> -> memref<1x128xi32, #tpu.memory_space<vmem>>
          %dma_start3A_51 = tpu.memref_squeeze %dma_start3A_50 : memref<1x128xi32, #tpu.memory_space<vmem>> -> memref<128xi32, #tpu.memory_space<vmem>>
          %dma_start3A_52 = arith.constant 0 : i32
          %dma_start3A_53 = arith.constant 0 : i32
          %dma_start3A_54 = tpu.memref_slice %arg2[%dma_start3A_52, %dma_start3A_53] : memref<10000x64xf32, #tpu.memory_space<hbm>> -> memref<10000x64xf32, #tpu.memory_space<hbm>>
          tpu.enqueue_indirect_dma source(%dma_start3A_54 : memref<10000x64xf32, #tpu.memory_space<hbm>>) target(%arg12 : memref<128x64xf32, #tpu.memory_space<vmem>>) offsets(%dma_start3A_51 : memref<128xi32, #tpu.memory_space<vmem>>) semaphore(%arg15 : memref<!tpu.dma_semaphore, #tpu.memory_space<semaphore_mem>>)
        } else {
        }
        %dma_wait3A_41 = arith.constant 0 : i32
        %dma_wait3A_42 = tpu.memref_slice %arg10[%add3A_23, %dma_wait3A_41] : memref<100x128xi32, #tpu.memory_space<vmem>> -> memref<1x128xi32, #tpu.memory_space<vmem>>
        %dma_wait3A_43 = tpu.memref_squeeze %dma_wait3A_42 : memref<1x128xi32, #tpu.memory_space<vmem>> -> memref<128xi32, #tpu.memory_space<vmem>>
        %dma_wait3A_44 = arith.constant 0 : i32
        %dma_wait3A_45 = arith.constant 0 : i32
        %dma_wait3A_46 = tpu.memref_slice %arg2[%dma_wait3A_44, %dma_wait3A_45] : memref<10000x64xf32, #tpu.memory_space<hbm>> -> memref<10000x64xf32, #tpu.memory_space<hbm>>
        tpu.wait_indirect_dma semaphore(%arg16 : memref<!tpu.dma_semaphore, #tpu.memory_space<semaphore_mem>>) src(%dma_wait3A_46 : memref<10000x64xf32, #tpu.memory_space<hbm>>) dst(%arg13 : memref<128x64xf32, #tpu.memory_space<vmem>>)
        "tpu.region"() ({
          %run_scoped3A = tpu.sem_alloc : memref<!tpu.dma_semaphore, #tpu.memory_space<semaphore_mem>>
          %dma_start3A_47 = arith.constant 0 : i32
          %dma_start3A_48 = tpu.memref_slice %arg11[%add3A_23, %dma_start3A_47] : memref<100x128xi32, #tpu.memory_space<vmem>> -> memref<1x128xi32, #tpu.memory_space<vmem>>
          %dma_start3A_49 = tpu.memref_squeeze %dma_start3A_48 : memref<1x128xi32, #tpu.memory_space<vmem>> -> memref<128xi32, #tpu.memory_space<vmem>>
          %dma_start3A_50 = arith.constant 0 : i32
          %dma_start3A_51 = arith.constant 0 : i32
          %dma_start3A_52 = tpu.memref_slice %arg14[%dma_start3A_50, %dma_start3A_51] : memref<10112x64xf32, #tpu.memory_space<vmem_shared>> -> memref<10112x64xf32, #tpu.memory_space<vmem_shared>>
          tpu.enqueue_indirect_dma source(%arg13 : memref<128x64xf32, #tpu.memory_space<vmem>>) target(%dma_start3A_52 : memref<10112x64xf32, #tpu.memory_space<vmem_shared>>) offsets(%dma_start3A_49 : memref<128xi32, #tpu.memory_space<vmem>>) semaphore(%run_scoped3A : memref<!tpu.dma_semaphore, #tpu.memory_space<semaphore_mem>>) {add = true}
          %dma_wait3A_53 = arith.constant 0 : i32
          %dma_wait3A_54 = tpu.memref_slice %arg11[%add3A_23, %dma_wait3A_53] : memref<100x128xi32, #tpu.memory_space<vmem>> -> memref<1x128xi32, #tpu.memory_space<vmem>>
          %dma_wait3A_55 = tpu.memref_squeeze %dma_wait3A_54 : memref<1x128xi32, #tpu.memory_space<vmem>> -> memref<128xi32, #tpu.memory_space<vmem>>
          %dma_wait3A_56 = arith.constant 0 : i32
          %dma_wait3A_57 = arith.constant 0 : i32
          %dma_wait3A_58 = tpu.memref_slice %arg14[%dma_wait3A_56, %dma_wait3A_57] : memref<10112x64xf32, #tpu.memory_space<vmem_shared>> -> memref<10112x64xf32, #tpu.memory_space<vmem_shared>>
          tpu.wait_indirect_dma semaphore(%run_scoped3A : memref<!tpu.dma_semaphore, #tpu.memory_space<semaphore_mem>>) src(%arg13 : memref<128x64xf32, #tpu.memory_space<vmem>>) dst(%dma_wait3A_58 : memref<10112x64xf32, #tpu.memory_space<vmem_shared>>)
          tpu.yield
        }) : () -> ()
        "tpu.region"() ({
          %run_scoped3A = tpu.sem_alloc : memref<!tpu.dma_semaphore, #tpu.memory_space<semaphore_mem>>
          %dma_start3A_47 = arith.constant 0 : i32
          %dma_start3A_48 = tpu.memref_slice %arg11[%add3A_23, %dma_start3A_47] : memref<100x128xi32, #tpu.memory_space<vmem>> -> memref<1x128xi32, #tpu.memory_space<vmem>>
          %dma_start3A_49 = tpu.memref_squeeze %dma_start3A_48 : memref<1x128xi32, #tpu.memory_space<vmem>> -> memref<128xi32, #tpu.memory_space<vmem>>
          %dma_start3A_50 = arith.constant 0 : i32
          %dma_start3A_51 = arith.constant 0 : i32
          %dma_start3A_52 = tpu.memref_slice %arg18[%dma_start3A_50, %dma_start3A_51] : memref<10112x16xf32, #tpu.memory_space<vmem_shared>> -> memref<10112x16xf32, #tpu.memory_space<vmem_shared>>
          tpu.enqueue_indirect_dma source(%arg17 : memref<128x16xf32, #tpu.memory_space<vmem>>) target(%dma_start3A_52 : memref<10112x16xf32, #tpu.memory_space<vmem_shared>>) offsets(%dma_start3A_49 : memref<128xi32, #tpu.memory_space<vmem>>) semaphore(%run_scoped3A : memref<!tpu.dma_semaphore, #tpu.memory_space<semaphore_mem>>) {add = true}
          %dma_wait3A_53 = arith.constant 0 : i32
          %dma_wait3A_54 = tpu.memref_slice %arg11[%add3A_23, %dma_wait3A_53] : memref<100x128xi32, #tpu.memory_space<vmem>> -> memref<1x128xi32, #tpu.memory_space<vmem>>
          %dma_wait3A_55 = tpu.memref_squeeze %dma_wait3A_54 : memref<1x128xi32, #tpu.memory_space<vmem>> -> memref<128xi32, #tpu.memory_space<vmem>>
          %dma_wait3A_56 = arith.constant 0 : i32
          %dma_wait3A_57 = arith.constant 0 : i32
          %dma_wait3A_58 = tpu.memref_slice %arg18[%dma_wait3A_56, %dma_wait3A_57] : memref<10112x16xf32, #tpu.memory_space<vmem_shared>> -> memref<10112x16xf32, #tpu.memory_space<vmem_shared>>
          tpu.wait_indirect_dma semaphore(%run_scoped3A : memref<!tpu.dma_semaphore, #tpu.memory_space<semaphore_mem>>) src(%arg17 : memref<128x16xf32, #tpu.memory_space<vmem>>) dst(%dma_wait3A_58 : memref<10112x16xf32, #tpu.memory_space<vmem_shared>>)
          tpu.yield
        }) : () -> ()
      }
      %scan3A_16 = arith.constant 29 : i32
    } else {
      %scan3A = arith.constant 0 : i32
      %scan3A_12 = arith.constant 0 : i32
      %scan3A_13 = arith.constant 50 : i32
      %scan3A_14 = arith.addi %scan3A_12, %scan3A_13 : i32
      %scan3A_15 = arith.constant 1 : i32
      scf.for %scan3A_17 = %scan3A_12 to %scan3A_14 step %scan3A_15  : i32 {
        %mul3A_18 = arith.constant 2 : i32
        %mul3A_19 = arith.muli %mul3A_18, %scan3A_17 : i32
        %mul3A_20 = arith.constant 2 : i32
        %mul3A_21 = arith.muli %mul3A_20, %scan3A_17 : i32
        %add3A_22 = arith.constant 1 : i32
        %add3A_23 = arith.addi %mul3A_21, %add3A_22 : i32
        %dma_start3A_24 = arith.constant 0 : i32
        %dma_start3A_25 = tpu.memref_slice %arg10[%add3A_23, %dma_start3A_24] : memref<100x128xi32, #tpu.memory_space<vmem>> -> memref<1x128xi32, #tpu.memory_space<vmem>>
        %dma_start3A_26 = tpu.memref_squeeze %dma_start3A_25 : memref<1x128xi32, #tpu.memory_space<vmem>> -> memref<128xi32, #tpu.memory_space<vmem>>
        %dma_start3A_27 = arith.constant 0 : i32
        %dma_start3A_28 = arith.constant 0 : i32
        %dma_start3A_29 = tpu.memref_slice %arg2[%dma_start3A_27, %dma_start3A_28] : memref<10000x64xf32, #tpu.memory_space<hbm>> -> memref<10000x64xf32, #tpu.memory_space<hbm>>
        tpu.enqueue_indirect_dma source(%dma_start3A_29 : memref<10000x64xf32, #tpu.memory_space<hbm>>) target(%arg13 : memref<128x64xf32, #tpu.memory_space<vmem>>) offsets(%dma_start3A_26 : memref<128xi32, #tpu.memory_space<vmem>>) semaphore(%arg16 : memref<!tpu.dma_semaphore, #tpu.memory_space<semaphore_mem>>)
        %dma_wait3A = arith.constant 0 : i32
        %dma_wait3A_30 = tpu.memref_slice %arg10[%mul3A_19, %dma_wait3A] : memref<100x128xi32, #tpu.memory_space<vmem>> -> memref<1x128xi32, #tpu.memory_space<vmem>>
        %dma_wait3A_31 = tpu.memref_squeeze %dma_wait3A_30 : memref<1x128xi32, #tpu.memory_space<vmem>> -> memref<128xi32, #tpu.memory_space<vmem>>
        %dma_wait3A_32 = arith.constant 0 : i32
        %dma_wait3A_33 = arith.constant 0 : i32
        %dma_wait3A_34 = tpu.memref_slice %arg2[%dma_wait3A_32, %dma_wait3A_33] : memref<10000x64xf32, #tpu.memory_space<hbm>> -> memref<10000x64xf32, #tpu.memory_space<hbm>>
        tpu.wait_indirect_dma semaphore(%arg15 : memref<!tpu.dma_semaphore, #tpu.memory_space<semaphore_mem>>) src(%dma_wait3A_34 : memref<10000x64xf32, #tpu.memory_space<hbm>>) dst(%arg12 : memref<128x64xf32, #tpu.memory_space<vmem>>)
        "tpu.region"() ({
          %run_scoped3A = tpu.sem_alloc : memref<!tpu.dma_semaphore, #tpu.memory_space<semaphore_mem>>
          %dma_start3A_47 = arith.constant 0 : i32
          %dma_start3A_48 = tpu.memref_slice %arg11[%mul3A_19, %dma_start3A_47] : memref<100x128xi32, #tpu.memory_space<vmem>> -> memref<1x128xi32, #tpu.memory_space<vmem>>
          %dma_start3A_49 = tpu.memref_squeeze %dma_start3A_48 : memref<1x128xi32, #tpu.memory_space<vmem>> -> memref<128xi32, #tpu.memory_space<vmem>>
          %dma_start3A_50 = arith.constant 0 : i32
          %dma_start3A_51 = arith.constant 0 : i32
          %dma_start3A_52 = tpu.memref_slice %arg14[%dma_start3A_50, %dma_start3A_51] : memref<10112x64xf32, #tpu.memory_space<vmem_shared>> -> memref<10112x64xf32, #tpu.memory_space<vmem_shared>>
          tpu.enqueue_indirect_dma source(%arg12 : memref<128x64xf32, #tpu.memory_space<vmem>>) target(%dma_start3A_52 : memref<10112x64xf32, #tpu.memory_space<vmem_shared>>) offsets(%dma_start3A_49 : memref<128xi32, #tpu.memory_space<vmem>>) semaphore(%run_scoped3A : memref<!tpu.dma_semaphore, #tpu.memory_space<semaphore_mem>>) {add = true}
          %dma_wait3A_53 = arith.constant 0 : i32
          %dma_wait3A_54 = tpu.memref_slice %arg11[%mul3A_19, %dma_wait3A_53] : memref<100x128xi32, #tpu.memory_space<vmem>> -> memref<1x128xi32, #tpu.memory_space<vmem>>
          %dma_wait3A_55 = tpu.memref_squeeze %dma_wait3A_54 : memref<1x128xi32, #tpu.memory_space<vmem>> -> memref<128xi32, #tpu.memory_space<vmem>>
          %dma_wait3A_56 = arith.constant 0 : i32
          %dma_wait3A_57 = arith.constant 0 : i32
          %dma_wait3A_58 = tpu.memref_slice %arg14[%dma_wait3A_56, %dma_wait3A_57] : memref<10112x64xf32, #tpu.memory_space<vmem_shared>> -> memref<10112x64xf32, #tpu.memory_space<vmem_shared>>
          tpu.wait_indirect_dma semaphore(%run_scoped3A : memref<!tpu.dma_semaphore, #tpu.memory_space<semaphore_mem>>) src(%arg12 : memref<128x64xf32, #tpu.memory_space<vmem>>) dst(%dma_wait3A_58 : memref<10112x64xf32, #tpu.memory_space<vmem_shared>>)
          tpu.yield
        }) : () -> ()
        "tpu.region"() ({
          %run_scoped3A = tpu.sem_alloc : memref<!tpu.dma_semaphore, #tpu.memory_space<semaphore_mem>>
          %dma_start3A_47 = arith.constant 0 : i32
          %dma_start3A_48 = tpu.memref_slice %arg11[%mul3A_19, %dma_start3A_47] : memref<100x128xi32, #tpu.memory_space<vmem>> -> memref<1x128xi32, #tpu.memory_space<vmem>>
          %dma_start3A_49 = tpu.memref_squeeze %dma_start3A_48 : memref<1x128xi32, #tpu.memory_space<vmem>> -> memref<128xi32, #tpu.memory_space<vmem>>
          %dma_start3A_50 = arith.constant 0 : i32
          %dma_start3A_51 = arith.constant 0 : i32
          %dma_start3A_52 = tpu.memref_slice %arg18[%dma_start3A_50, %dma_start3A_51] : memref<10112x16xf32, #tpu.memory_space<vmem_shared>> -> memref<10112x16xf32, #tpu.memory_space<vmem_shared>>
          tpu.enqueue_indirect_dma source(%arg17 : memref<128x16xf32, #tpu.memory_space<vmem>>) target(%dma_start3A_52 : memref<10112x16xf32, #tpu.memory_space<vmem_shared>>) offsets(%dma_start3A_49 : memref<128xi32, #tpu.memory_space<vmem>>) semaphore(%run_scoped3A : memref<!tpu.dma_semaphore, #tpu.memory_space<semaphore_mem>>) {add = true}
          %dma_wait3A_53 = arith.constant 0 : i32
          %dma_wait3A_54 = tpu.memref_slice %arg11[%mul3A_19, %dma_wait3A_53] : memref<100x128xi32, #tpu.memory_space<vmem>> -> memref<1x128xi32, #tpu.memory_space<vmem>>
          %dma_wait3A_55 = tpu.memref_squeeze %dma_wait3A_54 : memref<1x128xi32, #tpu.memory_space<vmem>> -> memref<128xi32, #tpu.memory_space<vmem>>
          %dma_wait3A_56 = arith.constant 0 : i32
          %dma_wait3A_57 = arith.constant 0 : i32
          %dma_wait3A_58 = tpu.memref_slice %arg18[%dma_wait3A_56, %dma_wait3A_57] : memref<10112x16xf32, #tpu.memory_space<vmem_shared>> -> memref<10112x16xf32, #tpu.memory_space<vmem_shared>>
          tpu.wait_indirect_dma semaphore(%run_scoped3A : memref<!tpu.dma_semaphore, #tpu.memory_space<semaphore_mem>>) src(%arg17 : memref<128x16xf32, #tpu.memory_space<vmem>>) dst(%dma_wait3A_58 : memref<10112x16xf32, #tpu.memory_space<vmem_shared>>)
          tpu.yield
        }) : () -> ()
        %add3A_35 = arith.constant 2 : i32
        %add3A_36 = arith.addi %mul3A_19, %add3A_35 : i32
        %lt3A = arith.constant 100 : i32
        %lt3A_37 = arith.cmpi slt, %add3A_36, %lt3A : i32
        %convert_element_type3A_38 = arith.extui %lt3A_37 : i1 to i32
        %cond3A_39 = arith.constant 0 : i32
        %cond3A_40 = arith.cmpi ne, %convert_element_type3A_38, %cond3A_39 : i32
        scf.if %cond3A_40 {
          %add3A_47 = arith.constant 2 : i32
          %add3A_48 = arith.addi %mul3A_19, %add3A_47 : i32
          %dma_start3A_49 = arith.constant 0 : i32
          %dma_start3A_50 = tpu.memref_slice %arg10[%add3A_48, %dma_start3A_49] : memref<100x128xi32, #tpu.memory_space<vmem>> -> memref<1x128xi32, #tpu.memory_space<vmem>>
          %dma_start3A_51 = tpu.memref_squeeze %dma_start3A_50 : memref<1x128xi32, #tpu.memory_space<vmem>> -> memref<128xi32, #tpu.memory_space<vmem>>
          %dma_start3A_52 = arith.constant 0 : i32
          %dma_start3A_53 = arith.constant 0 : i32
          %dma_start3A_54 = tpu.memref_slice %arg2[%dma_start3A_52, %dma_start3A_53] : memref<10000x64xf32, #tpu.memory_space<hbm>> -> memref<10000x64xf32, #tpu.memory_space<hbm>>
          tpu.enqueue_indirect_dma source(%dma_start3A_54 : memref<10000x64xf32, #tpu.memory_space<hbm>>) target(%arg12 : memref<128x64xf32, #tpu.memory_space<vmem>>) offsets(%dma_start3A_51 : memref<128xi32, #tpu.memory_space<vmem>>) semaphore(%arg15 : memref<!tpu.dma_semaphore, #tpu.memory_space<semaphore_mem>>)
        } else {
        }
        %dma_wait3A_41 = arith.constant 0 : i32
        %dma_wait3A_42 = tpu.memref_slice %arg10[%add3A_23, %dma_wait3A_41] : memref<100x128xi32, #tpu.memory_space<vmem>> -> memref<1x128xi32, #tpu.memory_space<vmem>>
        %dma_wait3A_43 = tpu.memref_squeeze %dma_wait3A_42 : memref<1x128xi32, #tpu.memory_space<vmem>> -> memref<128xi32, #tpu.memory_space<vmem>>
        %dma_wait3A_44 = arith.constant 0 : i32
        %dma_wait3A_45 = arith.constant 0 : i32
        %dma_wait3A_46 = tpu.memref_slice %arg2[%dma_wait3A_44, %dma_wait3A_45] : memref<10000x64xf32, #tpu.memory_space<hbm>> -> memref<10000x64xf32, #tpu.memory_space<hbm>>
        tpu.wait_indirect_dma semaphore(%arg16 : memref<!tpu.dma_semaphore, #tpu.memory_space<semaphore_mem>>) src(%dma_wait3A_46 : memref<10000x64xf32, #tpu.memory_space<hbm>>) dst(%arg13 : memref<128x64xf32, #tpu.memory_space<vmem>>)
        "tpu.region"() ({
          %run_scoped3A = tpu.sem_alloc : memref<!tpu.dma_semaphore, #tpu.memory_space<semaphore_mem>>
          %dma_start3A_47 = arith.constant 0 : i32
          %dma_start3A_48 = tpu.memref_slice %arg11[%add3A_23, %dma_start3A_47] : memref<100x128xi32, #tpu.memory_space<vmem>> -> memref<1x128xi32, #tpu.memory_space<vmem>>
          %dma_start3A_49 = tpu.memref_squeeze %dma_start3A_48 : memref<1x128xi32, #tpu.memory_space<vmem>> -> memref<128xi32, #tpu.memory_space<vmem>>
          %dma_start3A_50 = arith.constant 0 : i32
          %dma_start3A_51 = arith.constant 0 : i32
          %dma_start3A_52 = tpu.memref_slice %arg14[%dma_start3A_50, %dma_start3A_51] : memref<10112x64xf32, #tpu.memory_space<vmem_shared>> -> memref<10112x64xf32, #tpu.memory_space<vmem_shared>>
          tpu.enqueue_indirect_dma source(%arg13 : memref<128x64xf32, #tpu.memory_space<vmem>>) target(%dma_start3A_52 : memref<10112x64xf32, #tpu.memory_space<vmem_shared>>) offsets(%dma_start3A_49 : memref<128xi32, #tpu.memory_space<vmem>>) semaphore(%run_scoped3A : memref<!tpu.dma_semaphore, #tpu.memory_space<semaphore_mem>>) {add = true}
          %dma_wait3A_53 = arith.constant 0 : i32
          %dma_wait3A_54 = tpu.memref_slice %arg11[%add3A_23, %dma_wait3A_53] : memref<100x128xi32, #tpu.memory_space<vmem>> -> memref<1x128xi32, #tpu.memory_space<vmem>>
          %dma_wait3A_55 = tpu.memref_squeeze %dma_wait3A_54 : memref<1x128xi32, #tpu.memory_space<vmem>> -> memref<128xi32, #tpu.memory_space<vmem>>
          %dma_wait3A_56 = arith.constant 0 : i32
          %dma_wait3A_57 = arith.constant 0 : i32
          %dma_wait3A_58 = tpu.memref_slice %arg14[%dma_wait3A_56, %dma_wait3A_57] : memref<10112x64xf32, #tpu.memory_space<vmem_shared>> -> memref<10112x64xf32, #tpu.memory_space<vmem_shared>>
          tpu.wait_indirect_dma semaphore(%run_scoped3A : memref<!tpu.dma_semaphore, #tpu.memory_space<semaphore_mem>>) src(%arg13 : memref<128x64xf32, #tpu.memory_space<vmem>>) dst(%dma_wait3A_58 : memref<10112x64xf32, #tpu.memory_space<vmem_shared>>)
          tpu.yield
        }) : () -> ()
        "tpu.region"() ({
          %run_scoped3A = tpu.sem_alloc : memref<!tpu.dma_semaphore, #tpu.memory_space<semaphore_mem>>
          %dma_start3A_47 = arith.constant 0 : i32
          %dma_start3A_48 = tpu.memref_slice %arg11[%add3A_23, %dma_start3A_47] : memref<100x128xi32, #tpu.memory_space<vmem>> -> memref<1x128xi32, #tpu.memory_space<vmem>>
          %dma_start3A_49 = tpu.memref_squeeze %dma_start3A_48 : memref<1x128xi32, #tpu.memory_space<vmem>> -> memref<128xi32, #tpu.memory_space<vmem>>
          %dma_start3A_50 = arith.constant 0 : i32
          %dma_start3A_51 = arith.constant 0 : i32
          %dma_start3A_52 = tpu.memref_slice %arg18[%dma_start3A_50, %dma_start3A_51] : memref<10112x16xf32, #tpu.memory_space<vmem_shared>> -> memref<10112x16xf32, #tpu.memory_space<vmem_shared>>
          tpu.enqueue_indirect_dma source(%arg17 : memref<128x16xf32, #tpu.memory_space<vmem>>) target(%dma_start3A_52 : memref<10112x16xf32, #tpu.memory_space<vmem_shared>>) offsets(%dma_start3A_49 : memref<128xi32, #tpu.memory_space<vmem>>) semaphore(%run_scoped3A : memref<!tpu.dma_semaphore, #tpu.memory_space<semaphore_mem>>) {add = true}
          %dma_wait3A_53 = arith.constant 0 : i32
          %dma_wait3A_54 = tpu.memref_slice %arg11[%add3A_23, %dma_wait3A_53] : memref<100x128xi32, #tpu.memory_space<vmem>> -> memref<1x128xi32, #tpu.memory_space<vmem>>
          %dma_wait3A_55 = tpu.memref_squeeze %dma_wait3A_54 : memref<1x128xi32, #tpu.memory_space<vmem>> -> memref<128xi32, #tpu.memory_space<vmem>>
          %dma_wait3A_56 = arith.constant 0 : i32
          %dma_wait3A_57 = arith.constant 0 : i32
          %dma_wait3A_58 = tpu.memref_slice %arg18[%dma_wait3A_56, %dma_wait3A_57] : memref<10112x16xf32, #tpu.memory_space<vmem_shared>> -> memref<10112x16xf32, #tpu.memory_space<vmem_shared>>
          tpu.wait_indirect_dma semaphore(%run_scoped3A : memref<!tpu.dma_semaphore, #tpu.memory_space<semaphore_mem>>) src(%arg17 : memref<128x16xf32, #tpu.memory_space<vmem>>) dst(%dma_wait3A_58 : memref<10112x16xf32, #tpu.memory_space<vmem_shared>>)
          tpu.yield
        }) : () -> ()
      }
      %scan3A_16 = arith.constant 50 : i32
    }
    %barrier3A_11 = arith.constant 0 : index
    tpu.barrier barrier_id(%barrier3A_11)
    "tpu.region"() ({
      %run_scoped3A = tpu.sem_alloc : memref<!tpu.dma_semaphore, #tpu.memory_space<semaphore_mem>>
      %dma_start3A_12 = arith.constant 0 : i32
      %dma_start3A_13 = tpu.memref_slice %arg8[%arg0, %mul3A_2, %dma_start3A_12] : memref<2x10112x64xf32, #tpu.memory_space<hbm>> -> memref<1x632x64xf32, #tpu.memory_space<hbm>>
      %dma_start3A_14 = tpu.memref_squeeze %dma_start3A_13 : memref<1x632x64xf32, #tpu.memory_space<hbm>> -> memref<632x64xf32, #tpu.memory_space<hbm>>
      %dma_start3A_15 = arith.constant 0 : i32
      %dma_start3A_16 = tpu.memref_slice %arg14[%mul3A_2, %dma_start3A_15] : memref<10112x64xf32, #tpu.memory_space<vmem_shared>> -> memref<632x64xf32, #tpu.memory_space<vmem_shared>>
      tpu.enqueue_dma source(%dma_start3A_16 : memref<632x64xf32, #tpu.memory_space<vmem_shared>>) target(%dma_start3A_14 : memref<632x64xf32, #tpu.memory_space<hbm>>) target_semaphore(%run_scoped3A : memref<!tpu.dma_semaphore, #tpu.memory_space<semaphore_mem>>)
      %dma_wait3A = arith.constant 0 : i32
      %dma_wait3A_17 = tpu.memref_slice %arg8[%arg0, %mul3A_2, %dma_wait3A] : memref<2x10112x64xf32, #tpu.memory_space<hbm>> -> memref<1x632x64xf32, #tpu.memory_space<hbm>>
      %dma_wait3A_18 = tpu.memref_squeeze %dma_wait3A_17 : memref<1x632x64xf32, #tpu.memory_space<hbm>> -> memref<632x64xf32, #tpu.memory_space<hbm>>
      %dma_wait3A_19 = arith.constant 0 : i32
      %dma_wait3A_20 = tpu.memref_slice %arg14[%mul3A_2, %dma_wait3A_19] : memref<10112x64xf32, #tpu.memory_space<vmem_shared>> -> memref<632x64xf32, #tpu.memory_space<vmem_shared>>
      tpu.wait_dma2 semaphore(%run_scoped3A : memref<!tpu.dma_semaphore, #tpu.memory_space<semaphore_mem>>) src(%dma_wait3A_20 : memref<632x64xf32, #tpu.memory_space<vmem_shared>>) dst(%dma_wait3A_18 : memref<632x64xf32, #tpu.memory_space<hbm>>)
      tpu.yield
    }) : () -> ()
    "tpu.region"() ({
      %run_scoped3A = tpu.sem_alloc : memref<!tpu.dma_semaphore, #tpu.memory_space<semaphore_mem>>
      %dma_start3A_12 = arith.constant 0 : i32
      %dma_start3A_13 = tpu.memref_slice %arg9[%arg0, %mul3A_2, %dma_start3A_12] : memref<2x10112x16xf32, #tpu.memory_space<hbm>> -> memref<1x632x16xf32, #tpu.memory_space<hbm>>
      %dma_start3A_14 = tpu.memref_squeeze %dma_start3A_13 : memref<1x632x16xf32, #tpu.memory_space<hbm>> -> memref<632x16xf32, #tpu.memory_space<hbm>>
      %dma_start3A_15 = arith.constant 0 : i32
      %dma_start3A_16 = tpu.memref_slice %arg18[%mul3A_2, %dma_start3A_15] : memref<10112x16xf32, #tpu.memory_space<vmem_shared>> -> memref<632x16xf32, #tpu.memory_space<vmem_shared>>
      tpu.enqueue_dma source(%dma_start3A_16 : memref<632x16xf32, #tpu.memory_space<vmem_shared>>) target(%dma_start3A_14 : memref<632x16xf32, #tpu.memory_space<hbm>>) target_semaphore(%run_scoped3A : memref<!tpu.dma_semaphore, #tpu.memory_space<semaphore_mem>>)
      %dma_wait3A = arith.constant 0 : i32
      %dma_wait3A_17 = tpu.memref_slice %arg9[%arg0, %mul3A_2, %dma_wait3A] : memref<2x10112x16xf32, #tpu.memory_space<hbm>> -> memref<1x632x16xf32, #tpu.memory_space<hbm>>
      %dma_wait3A_18 = tpu.memref_squeeze %dma_wait3A_17 : memref<1x632x16xf32, #tpu.memory_space<hbm>> -> memref<632x16xf32, #tpu.memory_space<hbm>>
      %dma_wait3A_19 = arith.constant 0 : i32
      %dma_wait3A_20 = tpu.memref_slice %arg18[%mul3A_2, %dma_wait3A_19] : memref<10112x16xf32, #tpu.memory_space<vmem_shared>> -> memref<632x16xf32, #tpu.memory_space<vmem_shared>>
      tpu.wait_dma2 semaphore(%run_scoped3A : memref<!tpu.dma_semaphore, #tpu.memory_space<semaphore_mem>>) src(%dma_wait3A_20 : memref<632x16xf32, #tpu.memory_space<vmem_shared>>) dst(%dma_wait3A_18 : memref<632x16xf32, #tpu.memory_space<hbm>>)
      tpu.yield
    }) : () -> ()
    return
  }
}

#map = affine_map<(d0, d1) -> (0, 0, 0)>
#map1 = affine_map<(d0, d1) -> (0, 0)>
#map2 = affine_map<(d0, d1) -> (0)>
module attributes {stable_mosaic.version = 14 : i64} {
  func.func @_gather4_body(%arg0: i32, %arg1: i32, %arg2: memref<2x10112x64xf32, #tpu.memory_space<hbm>>, %arg3: memref<10000x64xf32, #tpu.memory_space<hbm>>, %arg4: memref<10000x16xf32, #tpu.memory_space<hbm>>, %arg5: memref<4096xi32, #tpu.memory_space<hbm>>, %arg6: memref<4096x64xf32, #tpu.memory_space<hbm>>, %arg7: memref<4096x64xf32, #tpu.memory_space<hbm>>, %arg8: memref<4096x64xf32, #tpu.memory_space<hbm>>, %arg9: memref<4096x16xf32, #tpu.memory_space<hbm>>, %arg10: memref<128xi32, #tpu.memory_space<vmem>>, %arg11: memref<128x64xf32, #tpu.memory_space<vmem>>, %arg12: memref<128x64xf32, #tpu.memory_space<vmem>>, %arg13: memref<128x64xf32, #tpu.memory_space<vmem>>, %arg14: memref<128x16xf32, #tpu.memory_space<vmem>>, %arg15: memref<!tpu.dma_semaphore, #tpu.memory_space<semaphore_mem>>) attributes {dimension_semantics = [#tpu.dimension_semantics<core_parallel>, #tpu.dimension_semantics<subcore_parallel>], iteration_bounds = array<i64: 2, 16>, scalar_prefetch = 0 : i64, scratch_operands = 6 : i64, tpu.core_type = #tpu.core_type<sc_vector_subcore>, window_params = [{transform_indices = #map}, {transform_indices = #map1}, {transform_indices = #map1}, {transform_indices = #map2}, {transform_indices = #map1}, {transform_indices = #map1}, {transform_indices = #map1}, {transform_indices = #map1}]} {
    %mul3A = arith.constant 2 : i32
    %mul3A_0 = arith.muli %arg1, %mul3A : i32
    %add3A = arith.addi %mul3A_0, %arg0 : i32
    %mul3A_1 = arith.constant 128 : i32
    %mul3A_2 = arith.muli %add3A, %mul3A_1 : i32
    "tpu.region"() ({
      %run_scoped3A = tpu.sem_alloc : memref<!tpu.dma_semaphore, #tpu.memory_space<semaphore_mem>>
      %dma_start3A_45 = tpu.memref_slice %arg5[%mul3A_2] : memref<4096xi32, #tpu.memory_space<hbm>> -> memref<128xi32, #tpu.memory_space<hbm>>
      %dma_start3A_46 = tpu.memref_slice %arg5[%mul3A_2] : memref<4096xi32, #tpu.memory_space<hbm>> -> memref<128xi32, #tpu.memory_space<hbm>>
      tpu.enqueue_dma source(%dma_start3A_46 : memref<128xi32, #tpu.memory_space<hbm>>) target(%arg10 : memref<128xi32, #tpu.memory_space<vmem>>) target_semaphore(%run_scoped3A : memref<!tpu.dma_semaphore, #tpu.memory_space<semaphore_mem>>)
      %dma_wait3A_47 = tpu.memref_slice %arg5[%mul3A_2] : memref<4096xi32, #tpu.memory_space<hbm>> -> memref<128xi32, #tpu.memory_space<hbm>>
      %dma_wait3A_48 = tpu.memref_slice %arg5[%mul3A_2] : memref<4096xi32, #tpu.memory_space<hbm>> -> memref<128xi32, #tpu.memory_space<hbm>>
      tpu.wait_dma2 semaphore(%run_scoped3A : memref<!tpu.dma_semaphore, #tpu.memory_space<semaphore_mem>>) src(%dma_wait3A_48 : memref<128xi32, #tpu.memory_space<hbm>>) dst(%arg10 : memref<128xi32, #tpu.memory_space<vmem>>)
      tpu.yield
    }) : () -> ()
    %dma_start3A = arith.constant 0 : i32
    %dma_start3A_3 = arith.constant 0 : i32
    %dma_start3A_4 = arith.constant 0 : i32
    %dma_start3A_5 = tpu.memref_slice %arg2[%dma_start3A, %dma_start3A_3, %dma_start3A_4] : memref<2x10112x64xf32, #tpu.memory_space<hbm>> -> memref<1x10112x64xf32, #tpu.memory_space<hbm>>
    %dma_start3A_6 = tpu.memref_squeeze %dma_start3A_5 : memref<1x10112x64xf32, #tpu.memory_space<hbm>> -> memref<10112x64xf32, #tpu.memory_space<hbm>>
    %dma_start3A_7 = arith.constant 0 : i32
    %dma_start3A_8 = arith.constant 0 : i32
    %dma_start3A_9 = tpu.memref_slice %dma_start3A_6[%dma_start3A_7, %dma_start3A_8] : memref<10112x64xf32, #tpu.memory_space<hbm>> -> memref<10112x64xf32, #tpu.memory_space<hbm>>
    tpu.enqueue_indirect_dma source(%dma_start3A_9 : memref<10112x64xf32, #tpu.memory_space<hbm>>) target(%arg11 : memref<128x64xf32, #tpu.memory_space<vmem>>) offsets(%arg10 : memref<128xi32, #tpu.memory_space<vmem>>) semaphore(%arg15 : memref<!tpu.dma_semaphore, #tpu.memory_space<semaphore_mem>>)
    %dma_start3A_10 = arith.constant 1 : i32
    %dma_start3A_11 = arith.constant 0 : i32
    %dma_start3A_12 = arith.constant 0 : i32
    %dma_start3A_13 = tpu.memref_slice %arg2[%dma_start3A_10, %dma_start3A_11, %dma_start3A_12] : memref<2x10112x64xf32, #tpu.memory_space<hbm>> -> memref<1x10112x64xf32, #tpu.memory_space<hbm>>
    %dma_start3A_14 = tpu.memref_squeeze %dma_start3A_13 : memref<1x10112x64xf32, #tpu.memory_space<hbm>> -> memref<10112x64xf32, #tpu.memory_space<hbm>>
    %dma_start3A_15 = arith.constant 0 : i32
    %dma_start3A_16 = arith.constant 0 : i32
    %dma_start3A_17 = tpu.memref_slice %dma_start3A_14[%dma_start3A_15, %dma_start3A_16] : memref<10112x64xf32, #tpu.memory_space<hbm>> -> memref<10112x64xf32, #tpu.memory_space<hbm>>
    tpu.enqueue_indirect_dma source(%dma_start3A_17 : memref<10112x64xf32, #tpu.memory_space<hbm>>) target(%arg12 : memref<128x64xf32, #tpu.memory_space<vmem>>) offsets(%arg10 : memref<128xi32, #tpu.memory_space<vmem>>) semaphore(%arg15 : memref<!tpu.dma_semaphore, #tpu.memory_space<semaphore_mem>>)
    %dma_start3A_18 = arith.constant 0 : i32
    %dma_start3A_19 = arith.constant 0 : i32
    %dma_start3A_20 = tpu.memref_slice %arg3[%dma_start3A_18, %dma_start3A_19] : memref<10000x64xf32, #tpu.memory_space<hbm>> -> memref<10000x64xf32, #tpu.memory_space<hbm>>
    tpu.enqueue_indirect_dma source(%dma_start3A_20 : memref<10000x64xf32, #tpu.memory_space<hbm>>) target(%arg13 : memref<128x64xf32, #tpu.memory_space<vmem>>) offsets(%arg10 : memref<128xi32, #tpu.memory_space<vmem>>) semaphore(%arg15 : memref<!tpu.dma_semaphore, #tpu.memory_space<semaphore_mem>>)
    %dma_start3A_21 = arith.constant 0 : i32
    %dma_start3A_22 = arith.constant 0 : i32
    %dma_start3A_23 = tpu.memref_slice %arg4[%dma_start3A_21, %dma_start3A_22] : memref<10000x16xf32, #tpu.memory_space<hbm>> -> memref<10000x16xf32, #tpu.memory_space<hbm>>
    tpu.enqueue_indirect_dma source(%dma_start3A_23 : memref<10000x16xf32, #tpu.memory_space<hbm>>) target(%arg14 : memref<128x16xf32, #tpu.memory_space<vmem>>) offsets(%arg10 : memref<128xi32, #tpu.memory_space<vmem>>) semaphore(%arg15 : memref<!tpu.dma_semaphore, #tpu.memory_space<semaphore_mem>>)
    %dma_wait3A = arith.constant 0 : i32
    %dma_wait3A_24 = arith.constant 0 : i32
    %dma_wait3A_25 = arith.constant 0 : i32
    %dma_wait3A_26 = tpu.memref_slice %arg2[%dma_wait3A, %dma_wait3A_24, %dma_wait3A_25] : memref<2x10112x64xf32, #tpu.memory_space<hbm>> -> memref<1x10112x64xf32, #tpu.memory_space<hbm>>
    %dma_wait3A_27 = tpu.memref_squeeze %dma_wait3A_26 : memref<1x10112x64xf32, #tpu.memory_space<hbm>> -> memref<10112x64xf32, #tpu.memory_space<hbm>>
    %dma_wait3A_28 = arith.constant 0 : i32
    %dma_wait3A_29 = arith.constant 0 : i32
    %dma_wait3A_30 = tpu.memref_slice %dma_wait3A_27[%dma_wait3A_28, %dma_wait3A_29] : memref<10112x64xf32, #tpu.memory_space<hbm>> -> memref<10112x64xf32, #tpu.memory_space<hbm>>
    tpu.wait_indirect_dma semaphore(%arg15 : memref<!tpu.dma_semaphore, #tpu.memory_space<semaphore_mem>>) src(%dma_wait3A_30 : memref<10112x64xf32, #tpu.memory_space<hbm>>) dst(%arg11 : memref<128x64xf32, #tpu.memory_space<vmem>>)
    %dma_wait3A_31 = arith.constant 1 : i32
    %dma_wait3A_32 = arith.constant 0 : i32
    %dma_wait3A_33 = arith.constant 0 : i32
    %dma_wait3A_34 = tpu.memref_slice %arg2[%dma_wait3A_31, %dma_wait3A_32, %dma_wait3A_33] : memref<2x10112x64xf32, #tpu.memory_space<hbm>> -> memref<1x10112x64xf32, #tpu.memory_space<hbm>>
    %dma_wait3A_35 = tpu.memref_squeeze %dma_wait3A_34 : memref<1x10112x64xf32, #tpu.memory_space<hbm>> -> memref<10112x64xf32, #tpu.memory_space<hbm>>
    %dma_wait3A_36 = arith.constant 0 : i32
    %dma_wait3A_37 = arith.constant 0 : i32
    %dma_wait3A_38 = tpu.memref_slice %dma_wait3A_35[%dma_wait3A_36, %dma_wait3A_37] : memref<10112x64xf32, #tpu.memory_space<hbm>> -> memref<10112x64xf32, #tpu.memory_space<hbm>>
    tpu.wait_indirect_dma semaphore(%arg15 : memref<!tpu.dma_semaphore, #tpu.memory_space<semaphore_mem>>) src(%dma_wait3A_38 : memref<10112x64xf32, #tpu.memory_space<hbm>>) dst(%arg12 : memref<128x64xf32, #tpu.memory_space<vmem>>)
    %dma_wait3A_39 = arith.constant 0 : i32
    %dma_wait3A_40 = arith.constant 0 : i32
    %dma_wait3A_41 = tpu.memref_slice %arg3[%dma_wait3A_39, %dma_wait3A_40] : memref<10000x64xf32, #tpu.memory_space<hbm>> -> memref<10000x64xf32, #tpu.memory_space<hbm>>
    tpu.wait_indirect_dma semaphore(%arg15 : memref<!tpu.dma_semaphore, #tpu.memory_space<semaphore_mem>>) src(%dma_wait3A_41 : memref<10000x64xf32, #tpu.memory_space<hbm>>) dst(%arg13 : memref<128x64xf32, #tpu.memory_space<vmem>>)
    %dma_wait3A_42 = arith.constant 0 : i32
    %dma_wait3A_43 = arith.constant 0 : i32
    %dma_wait3A_44 = tpu.memref_slice %arg4[%dma_wait3A_42, %dma_wait3A_43] : memref<10000x16xf32, #tpu.memory_space<hbm>> -> memref<10000x16xf32, #tpu.memory_space<hbm>>
    tpu.wait_indirect_dma semaphore(%arg15 : memref<!tpu.dma_semaphore, #tpu.memory_space<semaphore_mem>>) src(%dma_wait3A_44 : memref<10000x16xf32, #tpu.memory_space<hbm>>) dst(%arg14 : memref<128x16xf32, #tpu.memory_space<vmem>>)
    "tpu.region"() ({
      %run_scoped3A = tpu.sem_alloc : memref<!tpu.dma_semaphore, #tpu.memory_space<semaphore_mem>>
      %dma_start3A_45 = arith.constant 0 : i32
      %dma_start3A_46 = tpu.memref_slice %arg6[%mul3A_2, %dma_start3A_45] : memref<4096x64xf32, #tpu.memory_space<hbm>> -> memref<128x64xf32, #tpu.memory_space<hbm>>
      %dma_start3A_47 = arith.constant 0 : i32
      %dma_start3A_48 = tpu.memref_slice %arg6[%mul3A_2, %dma_start3A_47] : memref<4096x64xf32, #tpu.memory_space<hbm>> -> memref<128x64xf32, #tpu.memory_space<hbm>>
      tpu.enqueue_dma source(%arg11 : memref<128x64xf32, #tpu.memory_space<vmem>>) target(%dma_start3A_48 : memref<128x64xf32, #tpu.memory_space<hbm>>) target_semaphore(%run_scoped3A : memref<!tpu.dma_semaphore, #tpu.memory_space<semaphore_mem>>)
      %dma_wait3A_49 = arith.constant 0 : i32
      %dma_wait3A_50 = tpu.memref_slice %arg6[%mul3A_2, %dma_wait3A_49] : memref<4096x64xf32, #tpu.memory_space<hbm>> -> memref<128x64xf32, #tpu.memory_space<hbm>>
      %dma_wait3A_51 = arith.constant 0 : i32
      %dma_wait3A_52 = tpu.memref_slice %arg6[%mul3A_2, %dma_wait3A_51] : memref<4096x64xf32, #tpu.memory_space<hbm>> -> memref<128x64xf32, #tpu.memory_space<hbm>>
      tpu.wait_dma2 semaphore(%run_scoped3A : memref<!tpu.dma_semaphore, #tpu.memory_space<semaphore_mem>>) src(%arg11 : memref<128x64xf32, #tpu.memory_space<vmem>>) dst(%dma_wait3A_52 : memref<128x64xf32, #tpu.memory_space<hbm>>)
      tpu.yield
    }) : () -> ()
    "tpu.region"() ({
      %run_scoped3A = tpu.sem_alloc : memref<!tpu.dma_semaphore, #tpu.memory_space<semaphore_mem>>
      %dma_start3A_45 = arith.constant 0 : i32
      %dma_start3A_46 = tpu.memref_slice %arg7[%mul3A_2, %dma_start3A_45] : memref<4096x64xf32, #tpu.memory_space<hbm>> -> memref<128x64xf32, #tpu.memory_space<hbm>>
      %dma_start3A_47 = arith.constant 0 : i32
      %dma_start3A_48 = tpu.memref_slice %arg7[%mul3A_2, %dma_start3A_47] : memref<4096x64xf32, #tpu.memory_space<hbm>> -> memref<128x64xf32, #tpu.memory_space<hbm>>
      tpu.enqueue_dma source(%arg12 : memref<128x64xf32, #tpu.memory_space<vmem>>) target(%dma_start3A_48 : memref<128x64xf32, #tpu.memory_space<hbm>>) target_semaphore(%run_scoped3A : memref<!tpu.dma_semaphore, #tpu.memory_space<semaphore_mem>>)
      %dma_wait3A_49 = arith.constant 0 : i32
      %dma_wait3A_50 = tpu.memref_slice %arg7[%mul3A_2, %dma_wait3A_49] : memref<4096x64xf32, #tpu.memory_space<hbm>> -> memref<128x64xf32, #tpu.memory_space<hbm>>
      %dma_wait3A_51 = arith.constant 0 : i32
      %dma_wait3A_52 = tpu.memref_slice %arg7[%mul3A_2, %dma_wait3A_51] : memref<4096x64xf32, #tpu.memory_space<hbm>> -> memref<128x64xf32, #tpu.memory_space<hbm>>
      tpu.wait_dma2 semaphore(%run_scoped3A : memref<!tpu.dma_semaphore, #tpu.memory_space<semaphore_mem>>) src(%arg12 : memref<128x64xf32, #tpu.memory_space<vmem>>) dst(%dma_wait3A_52 : memref<128x64xf32, #tpu.memory_space<hbm>>)
      tpu.yield
    }) : () -> ()
    "tpu.region"() ({
      %run_scoped3A = tpu.sem_alloc : memref<!tpu.dma_semaphore, #tpu.memory_space<semaphore_mem>>
      %dma_start3A_45 = arith.constant 0 : i32
      %dma_start3A_46 = tpu.memref_slice %arg8[%mul3A_2, %dma_start3A_45] : memref<4096x64xf32, #tpu.memory_space<hbm>> -> memref<128x64xf32, #tpu.memory_space<hbm>>
      %dma_start3A_47 = arith.constant 0 : i32
      %dma_start3A_48 = tpu.memref_slice %arg8[%mul3A_2, %dma_start3A_47] : memref<4096x64xf32, #tpu.memory_space<hbm>> -> memref<128x64xf32, #tpu.memory_space<hbm>>
      tpu.enqueue_dma source(%arg13 : memref<128x64xf32, #tpu.memory_space<vmem>>) target(%dma_start3A_48 : memref<128x64xf32, #tpu.memory_space<hbm>>) target_semaphore(%run_scoped3A : memref<!tpu.dma_semaphore, #tpu.memory_space<semaphore_mem>>)
      %dma_wait3A_49 = arith.constant 0 : i32
      %dma_wait3A_50 = tpu.memref_slice %arg8[%mul3A_2, %dma_wait3A_49] : memref<4096x64xf32, #tpu.memory_space<hbm>> -> memref<128x64xf32, #tpu.memory_space<hbm>>
      %dma_wait3A_51 = arith.constant 0 : i32
      %dma_wait3A_52 = tpu.memref_slice %arg8[%mul3A_2, %dma_wait3A_51] : memref<4096x64xf32, #tpu.memory_space<hbm>> -> memref<128x64xf32, #tpu.memory_space<hbm>>
      tpu.wait_dma2 semaphore(%run_scoped3A : memref<!tpu.dma_semaphore, #tpu.memory_space<semaphore_mem>>) src(%arg13 : memref<128x64xf32, #tpu.memory_space<vmem>>) dst(%dma_wait3A_52 : memref<128x64xf32, #tpu.memory_space<hbm>>)
      tpu.yield
    }) : () -> ()
    "tpu.region"() ({
      %run_scoped3A = tpu.sem_alloc : memref<!tpu.dma_semaphore, #tpu.memory_space<semaphore_mem>>
      %dma_start3A_45 = arith.constant 0 : i32
      %dma_start3A_46 = tpu.memref_slice %arg9[%mul3A_2, %dma_start3A_45] : memref<4096x16xf32, #tpu.memory_space<hbm>> -> memref<128x16xf32, #tpu.memory_space<hbm>>
      %dma_start3A_47 = arith.constant 0 : i32
      %dma_start3A_48 = tpu.memref_slice %arg9[%mul3A_2, %dma_start3A_47] : memref<4096x16xf32, #tpu.memory_space<hbm>> -> memref<128x16xf32, #tpu.memory_space<hbm>>
      tpu.enqueue_dma source(%arg14 : memref<128x16xf32, #tpu.memory_space<vmem>>) target(%dma_start3A_48 : memref<128x16xf32, #tpu.memory_space<hbm>>) target_semaphore(%run_scoped3A : memref<!tpu.dma_semaphore, #tpu.memory_space<semaphore_mem>>)
      %dma_wait3A_49 = arith.constant 0 : i32
      %dma_wait3A_50 = tpu.memref_slice %arg9[%mul3A_2, %dma_wait3A_49] : memref<4096x16xf32, #tpu.memory_space<hbm>> -> memref<128x16xf32, #tpu.memory_space<hbm>>
      %dma_wait3A_51 = arith.constant 0 : i32
      %dma_wait3A_52 = tpu.memref_slice %arg9[%mul3A_2, %dma_wait3A_51] : memref<4096x16xf32, #tpu.memory_space<hbm>> -> memref<128x16xf32, #tpu.memory_space<hbm>>
      tpu.wait_dma2 semaphore(%run_scoped3A : memref<!tpu.dma_semaphore, #tpu.memory_space<semaphore_mem>>) src(%arg14 : memref<128x16xf32, #tpu.memory_space<vmem>>) dst(%dma_wait3A_52 : memref<128x16xf32, #tpu.memory_space<hbm>>)
      tpu.yield
    }) : () -> ()
    return
  }
}

#map = affine_map<(d0, d1) -> (0, 0)>
#map1 = affine_map<(d0, d1) -> (0, 0, 0)>
module attributes {stable_mosaic.version = 14 : i64} {
  func.func @body(%arg0: i32, %arg1: i32, %arg2: memref<10000x64xf32, #tpu.memory_space<hbm>>, %arg3: memref<32x100x128xi32, #tpu.memory_space<hbm>>, %arg4: memref<32x100x128xi32, #tpu.memory_space<hbm>>, %arg5: memref<10112x64xf32, #tpu.memory_space<hbm>>, %arg6: memref<10112x16xf32, #tpu.memory_space<hbm>>, %arg7: memref<128x16xf32, #tpu.memory_space<hbm>>, %arg8: memref<2x10112x64xf32, #tpu.memory_space<hbm>>, %arg9: memref<100x128xi32, #tpu.memory_space<vmem>>, %arg10: memref<100x128xi32, #tpu.memory_space<vmem>>, %arg11: memref<128x64xf32, #tpu.memory_space<vmem>>, %arg12: memref<128x64xf32, #tpu.memory_space<vmem>>, %arg13: memref<10112x64xf32, #tpu.memory_space<vmem_shared>>, %arg14: memref<!tpu.dma_semaphore, #tpu.memory_space<semaphore_mem>>, %arg15: memref<!tpu.dma_semaphore, #tpu.memory_space<semaphore_mem>>) attributes {dimension_semantics = [#tpu.dimension_semantics<core_parallel>, #tpu.dimension_semantics<subcore_parallel>], iteration_bounds = array<i64: 2, 16>, scalar_prefetch = 0 : i64, scratch_operands = 7 : i64, tpu.core_type = #tpu.core_type<sc_vector_subcore>, window_params = [{transform_indices = #map}, {transform_indices = #map1}, {transform_indices = #map1}, {transform_indices = #map}, {transform_indices = #map}, {transform_indices = #map}, {transform_indices = #map1}]} {
    %mul3A = arith.constant 2 : i32
    %mul3A_0 = arith.muli %arg1, %mul3A : i32
    %add3A = arith.addi %mul3A_0, %arg0 : i32
    %mul3A_1 = arith.constant 632 : i32
    %mul3A_2 = arith.muli %arg1, %mul3A_1 : i32
    "tpu.region"() ({
      %run_scoped3A = tpu.sem_alloc : memref<!tpu.dma_semaphore, #tpu.memory_space<semaphore_mem>>
      %dma_start3A_12 = arith.constant 0 : i32
      %dma_start3A_13 = tpu.memref_slice %arg13[%mul3A_2, %dma_start3A_12] : memref<10112x64xf32, #tpu.memory_space<vmem_shared>> -> memref<632x64xf32, #tpu.memory_space<vmem_shared>>
      %dma_start3A_14 = arith.constant 0 : i32
      %dma_start3A_15 = tpu.memref_slice %arg5[%mul3A_2, %dma_start3A_14] : memref<10112x64xf32, #tpu.memory_space<hbm>> -> memref<632x64xf32, #tpu.memory_space<hbm>>
      tpu.enqueue_dma source(%dma_start3A_15 : memref<632x64xf32, #tpu.memory_space<hbm>>) target(%dma_start3A_13 : memref<632x64xf32, #tpu.memory_space<vmem_shared>>) target_semaphore(%run_scoped3A : memref<!tpu.dma_semaphore, #tpu.memory_space<semaphore_mem>>)
      %dma_wait3A = arith.constant 0 : i32
      %dma_wait3A_16 = tpu.memref_slice %arg13[%mul3A_2, %dma_wait3A] : memref<10112x64xf32, #tpu.memory_space<vmem_shared>> -> memref<632x64xf32, #tpu.memory_space<vmem_shared>>
      %dma_wait3A_17 = arith.constant 0 : i32
      %dma_wait3A_18 = tpu.memref_slice %arg5[%mul3A_2, %dma_wait3A_17] : memref<10112x64xf32, #tpu.memory_space<hbm>> -> memref<632x64xf32, #tpu.memory_space<hbm>>
      tpu.wait_dma2 semaphore(%run_scoped3A : memref<!tpu.dma_semaphore, #tpu.memory_space<semaphore_mem>>) src(%dma_wait3A_18 : memref<632x64xf32, #tpu.memory_space<hbm>>) dst(%dma_wait3A_16 : memref<632x64xf32, #tpu.memory_space<vmem_shared>>)
      tpu.yield
    }) : () -> ()
    "tpu.region"() ({
      %run_scoped3A = tpu.sem_alloc : memref<!tpu.dma_semaphore, #tpu.memory_space<semaphore_mem>>
      %dma_start3A_12 = arith.constant 0 : i32
      %dma_start3A_13 = arith.constant 0 : i32
      %dma_start3A_14 = tpu.memref_slice %arg3[%add3A, %dma_start3A_12, %dma_start3A_13] : memref<32x100x128xi32, #tpu.memory_space<hbm>> -> memref<1x100x128xi32, #tpu.memory_space<hbm>>
      %dma_start3A_15 = tpu.memref_squeeze %dma_start3A_14 : memref<1x100x128xi32, #tpu.memory_space<hbm>> -> memref<100x128xi32, #tpu.memory_space<hbm>>
      %dma_start3A_16 = arith.constant 0 : i32
      %dma_start3A_17 = arith.constant 0 : i32
      %dma_start3A_18 = tpu.memref_slice %arg3[%add3A, %dma_start3A_16, %dma_start3A_17] : memref<32x100x128xi32, #tpu.memory_space<hbm>> -> memref<1x100x128xi32, #tpu.memory_space<hbm>>
      %dma_start3A_19 = tpu.memref_squeeze %dma_start3A_18 : memref<1x100x128xi32, #tpu.memory_space<hbm>> -> memref<100x128xi32, #tpu.memory_space<hbm>>
      tpu.enqueue_dma source(%dma_start3A_19 : memref<100x128xi32, #tpu.memory_space<hbm>>) target(%arg9 : memref<100x128xi32, #tpu.memory_space<vmem>>) target_semaphore(%run_scoped3A : memref<!tpu.dma_semaphore, #tpu.memory_space<semaphore_mem>>)
      %dma_wait3A = arith.constant 0 : i32
      %dma_wait3A_20 = arith.constant 0 : i32
      %dma_wait3A_21 = tpu.memref_slice %arg3[%add3A, %dma_wait3A, %dma_wait3A_20] : memref<32x100x128xi32, #tpu.memory_space<hbm>> -> memref<1x100x128xi32, #tpu.memory_space<hbm>>
      %dma_wait3A_22 = tpu.memref_squeeze %dma_wait3A_21 : memref<1x100x128xi32, #tpu.memory_space<hbm>> -> memref<100x128xi32, #tpu.memory_space<hbm>>
      %dma_wait3A_23 = arith.constant 0 : i32
      %dma_wait3A_24 = arith.constant 0 : i32
      %dma_wait3A_25 = tpu.memref_slice %arg3[%add3A, %dma_wait3A_23, %dma_wait3A_24] : memref<32x100x128xi32, #tpu.memory_space<hbm>> -> memref<1x100x128xi32, #tpu.memory_space<hbm>>
      %dma_wait3A_26 = tpu.memref_squeeze %dma_wait3A_25 : memref<1x100x128xi32, #tpu.memory_space<hbm>> -> memref<100x128xi32, #tpu.memory_space<hbm>>
      tpu.wait_dma2 semaphore(%run_scoped3A : memref<!tpu.dma_semaphore, #tpu.memory_space<semaphore_mem>>) src(%dma_wait3A_26 : memref<100x128xi32, #tpu.memory_space<hbm>>) dst(%arg9 : memref<100x128xi32, #tpu.memory_space<vmem>>)
      tpu.yield
    }) : () -> ()
    "tpu.region"() ({
      %run_scoped3A = tpu.sem_alloc : memref<!tpu.dma_semaphore, #tpu.memory_space<semaphore_mem>>
      %dma_start3A_12 = arith.constant 0 : i32
      %dma_start3A_13 = arith.constant 0 : i32
      %dma_start3A_14 = tpu.memref_slice %arg4[%add3A, %dma_start3A_12, %dma_start3A_13] : memref<32x100x128xi32, #tpu.memory_space<hbm>> -> memref<1x100x128xi32, #tpu.memory_space<hbm>>
      %dma_start3A_15 = tpu.memref_squeeze %dma_start3A_14 : memref<1x100x128xi32, #tpu.memory_space<hbm>> -> memref<100x128xi32, #tpu.memory_space<hbm>>
      %dma_start3A_16 = arith.constant 0 : i32
      %dma_start3A_17 = arith.constant 0 : i32
      %dma_start3A_18 = tpu.memref_slice %arg4[%add3A, %dma_start3A_16, %dma_start3A_17] : memref<32x100x128xi32, #tpu.memory_space<hbm>> -> memref<1x100x128xi32, #tpu.memory_space<hbm>>
      %dma_start3A_19 = tpu.memref_squeeze %dma_start3A_18 : memref<1x100x128xi32, #tpu.memory_space<hbm>> -> memref<100x128xi32, #tpu.memory_space<hbm>>
      tpu.enqueue_dma source(%dma_start3A_19 : memref<100x128xi32, #tpu.memory_space<hbm>>) target(%arg10 : memref<100x128xi32, #tpu.memory_space<vmem>>) target_semaphore(%run_scoped3A : memref<!tpu.dma_semaphore, #tpu.memory_space<semaphore_mem>>)
      %dma_wait3A = arith.constant 0 : i32
      %dma_wait3A_20 = arith.constant 0 : i32
      %dma_wait3A_21 = tpu.memref_slice %arg4[%add3A, %dma_wait3A, %dma_wait3A_20] : memref<32x100x128xi32, #tpu.memory_space<hbm>> -> memref<1x100x128xi32, #tpu.memory_space<hbm>>
      %dma_wait3A_22 = tpu.memref_squeeze %dma_wait3A_21 : memref<1x100x128xi32, #tpu.memory_space<hbm>> -> memref<100x128xi32, #tpu.memory_space<hbm>>
      %dma_wait3A_23 = arith.constant 0 : i32
      %dma_wait3A_24 = arith.constant 0 : i32
      %dma_wait3A_25 = tpu.memref_slice %arg4[%add3A, %dma_wait3A_23, %dma_wait3A_24] : memref<32x100x128xi32, #tpu.memory_space<hbm>> -> memref<1x100x128xi32, #tpu.memory_space<hbm>>
      %dma_wait3A_26 = tpu.memref_squeeze %dma_wait3A_25 : memref<1x100x128xi32, #tpu.memory_space<hbm>> -> memref<100x128xi32, #tpu.memory_space<hbm>>
      tpu.wait_dma2 semaphore(%run_scoped3A : memref<!tpu.dma_semaphore, #tpu.memory_space<semaphore_mem>>) src(%dma_wait3A_26 : memref<100x128xi32, #tpu.memory_space<hbm>>) dst(%arg10 : memref<100x128xi32, #tpu.memory_space<vmem>>)
      tpu.yield
    }) : () -> ()
    %barrier3A = arith.constant 0 : index
    tpu.barrier barrier_id(%barrier3A)
    %dma_start3A = arith.constant 0 : i32
    %dma_start3A_3 = arith.constant 0 : i32
    %dma_start3A_4 = tpu.memref_slice %arg9[%dma_start3A, %dma_start3A_3] : memref<100x128xi32, #tpu.memory_space<vmem>> -> memref<1x128xi32, #tpu.memory_space<vmem>>
    %dma_start3A_5 = tpu.memref_squeeze %dma_start3A_4 : memref<1x128xi32, #tpu.memory_space<vmem>> -> memref<128xi32, #tpu.memory_space<vmem>>
    %dma_start3A_6 = arith.constant 0 : i32
    %dma_start3A_7 = arith.constant 0 : i32
    %dma_start3A_8 = tpu.memref_slice %arg2[%dma_start3A_6, %dma_start3A_7] : memref<10000x64xf32, #tpu.memory_space<hbm>> -> memref<10000x64xf32, #tpu.memory_space<hbm>>
    tpu.enqueue_indirect_dma source(%dma_start3A_8 : memref<10000x64xf32, #tpu.memory_space<hbm>>) target(%arg11 : memref<128x64xf32, #tpu.memory_space<vmem>>) offsets(%dma_start3A_5 : memref<128xi32, #tpu.memory_space<vmem>>) semaphore(%arg14 : memref<!tpu.dma_semaphore, #tpu.memory_space<semaphore_mem>>)
    %eq3A = arith.constant 0 : i32
    %eq3A_9 = arith.cmpi eq, %arg0, %eq3A : i32
    %convert_element_type3A = arith.extui %eq3A_9 : i1 to i32
    %cond3A = arith.constant 0 : i32
    %cond3A_10 = arith.cmpi ne, %convert_element_type3A, %cond3A : i32
    scf.if %cond3A_10 {
      %scan3A = arith.constant 0 : i32
      %scan3A_12 = arith.constant 0 : i32
      %scan3A_13 = arith.constant 29 : i32
      %scan3A_14 = arith.addi %scan3A_12, %scan3A_13 : i32
      %scan3A_15 = arith.constant 1 : i32
      scf.for %scan3A_17 = %scan3A_12 to %scan3A_14 step %scan3A_15  : i32 {
        %mul3A_18 = arith.constant 2 : i32
        %mul3A_19 = arith.muli %mul3A_18, %scan3A_17 : i32
        %mul3A_20 = arith.constant 2 : i32
        %mul3A_21 = arith.muli %mul3A_20, %scan3A_17 : i32
        %add3A_22 = arith.constant 1 : i32
        %add3A_23 = arith.addi %mul3A_21, %add3A_22 : i32
        %dma_start3A_24 = arith.constant 0 : i32
        %dma_start3A_25 = tpu.memref_slice %arg9[%add3A_23, %dma_start3A_24] : memref<100x128xi32, #tpu.memory_space<vmem>> -> memref<1x128xi32, #tpu.memory_space<vmem>>
        %dma_start3A_26 = tpu.memref_squeeze %dma_start3A_25 : memref<1x128xi32, #tpu.memory_space<vmem>> -> memref<128xi32, #tpu.memory_space<vmem>>
        %dma_start3A_27 = arith.constant 0 : i32
        %dma_start3A_28 = arith.constant 0 : i32
        %dma_start3A_29 = tpu.memref_slice %arg2[%dma_start3A_27, %dma_start3A_28] : memref<10000x64xf32, #tpu.memory_space<hbm>> -> memref<10000x64xf32, #tpu.memory_space<hbm>>
        tpu.enqueue_indirect_dma source(%dma_start3A_29 : memref<10000x64xf32, #tpu.memory_space<hbm>>) target(%arg12 : memref<128x64xf32, #tpu.memory_space<vmem>>) offsets(%dma_start3A_26 : memref<128xi32, #tpu.memory_space<vmem>>) semaphore(%arg15 : memref<!tpu.dma_semaphore, #tpu.memory_space<semaphore_mem>>)
        %dma_wait3A = arith.constant 0 : i32
        %dma_wait3A_30 = tpu.memref_slice %arg9[%mul3A_19, %dma_wait3A] : memref<100x128xi32, #tpu.memory_space<vmem>> -> memref<1x128xi32, #tpu.memory_space<vmem>>
        %dma_wait3A_31 = tpu.memref_squeeze %dma_wait3A_30 : memref<1x128xi32, #tpu.memory_space<vmem>> -> memref<128xi32, #tpu.memory_space<vmem>>
        %dma_wait3A_32 = arith.constant 0 : i32
        %dma_wait3A_33 = arith.constant 0 : i32
        %dma_wait3A_34 = tpu.memref_slice %arg2[%dma_wait3A_32, %dma_wait3A_33] : memref<10000x64xf32, #tpu.memory_space<hbm>> -> memref<10000x64xf32, #tpu.memory_space<hbm>>
        tpu.wait_indirect_dma semaphore(%arg14 : memref<!tpu.dma_semaphore, #tpu.memory_space<semaphore_mem>>) src(%dma_wait3A_34 : memref<10000x64xf32, #tpu.memory_space<hbm>>) dst(%arg11 : memref<128x64xf32, #tpu.memory_space<vmem>>)
        "tpu.region"() ({
          %run_scoped3A = tpu.sem_alloc : memref<!tpu.dma_semaphore, #tpu.memory_space<semaphore_mem>>
          %dma_start3A_47 = arith.constant 0 : i32
          %dma_start3A_48 = tpu.memref_slice %arg10[%mul3A_19, %dma_start3A_47] : memref<100x128xi32, #tpu.memory_space<vmem>> -> memref<1x128xi32, #tpu.memory_space<vmem>>
          %dma_start3A_49 = tpu.memref_squeeze %dma_start3A_48 : memref<1x128xi32, #tpu.memory_space<vmem>> -> memref<128xi32, #tpu.memory_space<vmem>>
          %dma_start3A_50 = arith.constant 0 : i32
          %dma_start3A_51 = arith.constant 0 : i32
          %dma_start3A_52 = tpu.memref_slice %arg13[%dma_start3A_50, %dma_start3A_51] : memref<10112x64xf32, #tpu.memory_space<vmem_shared>> -> memref<10112x64xf32, #tpu.memory_space<vmem_shared>>
          tpu.enqueue_indirect_dma source(%arg11 : memref<128x64xf32, #tpu.memory_space<vmem>>) target(%dma_start3A_52 : memref<10112x64xf32, #tpu.memory_space<vmem_shared>>) offsets(%dma_start3A_49 : memref<128xi32, #tpu.memory_space<vmem>>) semaphore(%run_scoped3A : memref<!tpu.dma_semaphore, #tpu.memory_space<semaphore_mem>>) {add = true}
          %dma_wait3A_53 = arith.constant 0 : i32
          %dma_wait3A_54 = tpu.memref_slice %arg10[%mul3A_19, %dma_wait3A_53] : memref<100x128xi32, #tpu.memory_space<vmem>> -> memref<1x128xi32, #tpu.memory_space<vmem>>
          %dma_wait3A_55 = tpu.memref_squeeze %dma_wait3A_54 : memref<1x128xi32, #tpu.memory_space<vmem>> -> memref<128xi32, #tpu.memory_space<vmem>>
          %dma_wait3A_56 = arith.constant 0 : i32
          %dma_wait3A_57 = arith.constant 0 : i32
          %dma_wait3A_58 = tpu.memref_slice %arg13[%dma_wait3A_56, %dma_wait3A_57] : memref<10112x64xf32, #tpu.memory_space<vmem_shared>> -> memref<10112x64xf32, #tpu.memory_space<vmem_shared>>
          tpu.wait_indirect_dma semaphore(%run_scoped3A : memref<!tpu.dma_semaphore, #tpu.memory_space<semaphore_mem>>) src(%arg11 : memref<128x64xf32, #tpu.memory_space<vmem>>) dst(%dma_wait3A_58 : memref<10112x64xf32, #tpu.memory_space<vmem_shared>>)
          tpu.yield
        }) : () -> ()
        %add3A_35 = arith.constant 2 : i32
        %add3A_36 = arith.addi %mul3A_19, %add3A_35 : i32
        %lt3A = arith.constant 58 : i32
        %lt3A_37 = arith.cmpi slt, %add3A_36, %lt3A : i32
        %convert_element_type3A_38 = arith.extui %lt3A_37 : i1 to i32
        %cond3A_39 = arith.constant 0 : i32
        %cond3A_40 = arith.cmpi ne, %convert_element_type3A_38, %cond3A_39 : i32
        scf.if %cond3A_40 {
          %add3A_47 = arith.constant 2 : i32
          %add3A_48 = arith.addi %mul3A_19, %add3A_47 : i32
          %dma_start3A_49 = arith.constant 0 : i32
          %dma_start3A_50 = tpu.memref_slice %arg9[%add3A_48, %dma_start3A_49] : memref<100x128xi32, #tpu.memory_space<vmem>> -> memref<1x128xi32, #tpu.memory_space<vmem>>
          %dma_start3A_51 = tpu.memref_squeeze %dma_start3A_50 : memref<1x128xi32, #tpu.memory_space<vmem>> -> memref<128xi32, #tpu.memory_space<vmem>>
          %dma_start3A_52 = arith.constant 0 : i32
          %dma_start3A_53 = arith.constant 0 : i32
          %dma_start3A_54 = tpu.memref_slice %arg2[%dma_start3A_52, %dma_start3A_53] : memref<10000x64xf32, #tpu.memory_space<hbm>> -> memref<10000x64xf32, #tpu.memory_space<hbm>>
          tpu.enqueue_indirect_dma source(%dma_start3A_54 : memref<10000x64xf32, #tpu.memory_space<hbm>>) target(%arg11 : memref<128x64xf32, #tpu.memory_space<vmem>>) offsets(%dma_start3A_51 : memref<128xi32, #tpu.memory_space<vmem>>) semaphore(%arg14 : memref<!tpu.dma_semaphore, #tpu.memory_space<semaphore_mem>>)
        } else {
        }
        %dma_wait3A_41 = arith.constant 0 : i32
        %dma_wait3A_42 = tpu.memref_slice %arg9[%add3A_23, %dma_wait3A_41] : memref<100x128xi32, #tpu.memory_space<vmem>> -> memref<1x128xi32, #tpu.memory_space<vmem>>
        %dma_wait3A_43 = tpu.memref_squeeze %dma_wait3A_42 : memref<1x128xi32, #tpu.memory_space<vmem>> -> memref<128xi32, #tpu.memory_space<vmem>>
        %dma_wait3A_44 = arith.constant 0 : i32
        %dma_wait3A_45 = arith.constant 0 : i32
        %dma_wait3A_46 = tpu.memref_slice %arg2[%dma_wait3A_44, %dma_wait3A_45] : memref<10000x64xf32, #tpu.memory_space<hbm>> -> memref<10000x64xf32, #tpu.memory_space<hbm>>
        tpu.wait_indirect_dma semaphore(%arg15 : memref<!tpu.dma_semaphore, #tpu.memory_space<semaphore_mem>>) src(%dma_wait3A_46 : memref<10000x64xf32, #tpu.memory_space<hbm>>) dst(%arg12 : memref<128x64xf32, #tpu.memory_space<vmem>>)
        "tpu.region"() ({
          %run_scoped3A = tpu.sem_alloc : memref<!tpu.dma_semaphore, #tpu.memory_space<semaphore_mem>>
          %dma_start3A_47 = arith.constant 0 : i32
          %dma_start3A_48 = tpu.memref_slice %arg10[%add3A_23, %dma_start3A_47] : memref<100x128xi32, #tpu.memory_space<vmem>> -> memref<1x128xi32, #tpu.memory_space<vmem>>
          %dma_start3A_49 = tpu.memref_squeeze %dma_start3A_48 : memref<1x128xi32, #tpu.memory_space<vmem>> -> memref<128xi32, #tpu.memory_space<vmem>>
          %dma_start3A_50 = arith.constant 0 : i32
          %dma_start3A_51 = arith.constant 0 : i32
          %dma_start3A_52 = tpu.memref_slice %arg13[%dma_start3A_50, %dma_start3A_51] : memref<10112x64xf32, #tpu.memory_space<vmem_shared>> -> memref<10112x64xf32, #tpu.memory_space<vmem_shared>>
          tpu.enqueue_indirect_dma source(%arg12 : memref<128x64xf32, #tpu.memory_space<vmem>>) target(%dma_start3A_52 : memref<10112x64xf32, #tpu.memory_space<vmem_shared>>) offsets(%dma_start3A_49 : memref<128xi32, #tpu.memory_space<vmem>>) semaphore(%run_scoped3A : memref<!tpu.dma_semaphore, #tpu.memory_space<semaphore_mem>>) {add = true}
          %dma_wait3A_53 = arith.constant 0 : i32
          %dma_wait3A_54 = tpu.memref_slice %arg10[%add3A_23, %dma_wait3A_53] : memref<100x128xi32, #tpu.memory_space<vmem>> -> memref<1x128xi32, #tpu.memory_space<vmem>>
          %dma_wait3A_55 = tpu.memref_squeeze %dma_wait3A_54 : memref<1x128xi32, #tpu.memory_space<vmem>> -> memref<128xi32, #tpu.memory_space<vmem>>
          %dma_wait3A_56 = arith.constant 0 : i32
          %dma_wait3A_57 = arith.constant 0 : i32
          %dma_wait3A_58 = tpu.memref_slice %arg13[%dma_wait3A_56, %dma_wait3A_57] : memref<10112x64xf32, #tpu.memory_space<vmem_shared>> -> memref<10112x64xf32, #tpu.memory_space<vmem_shared>>
          tpu.wait_indirect_dma semaphore(%run_scoped3A : memref<!tpu.dma_semaphore, #tpu.memory_space<semaphore_mem>>) src(%arg12 : memref<128x64xf32, #tpu.memory_space<vmem>>) dst(%dma_wait3A_58 : memref<10112x64xf32, #tpu.memory_space<vmem_shared>>)
          tpu.yield
        }) : () -> ()
      }
      %scan3A_16 = arith.constant 29 : i32
    } else {
      %scan3A = arith.constant 0 : i32
      %scan3A_12 = arith.constant 0 : i32
      %scan3A_13 = arith.constant 50 : i32
      %scan3A_14 = arith.addi %scan3A_12, %scan3A_13 : i32
      %scan3A_15 = arith.constant 1 : i32
      scf.for %scan3A_17 = %scan3A_12 to %scan3A_14 step %scan3A_15  : i32 {
        %mul3A_18 = arith.constant 2 : i32
        %mul3A_19 = arith.muli %mul3A_18, %scan3A_17 : i32
        %mul3A_20 = arith.constant 2 : i32
        %mul3A_21 = arith.muli %mul3A_20, %scan3A_17 : i32
        %add3A_22 = arith.constant 1 : i32
        %add3A_23 = arith.addi %mul3A_21, %add3A_22 : i32
        %dma_start3A_24 = arith.constant 0 : i32
        %dma_start3A_25 = tpu.memref_slice %arg9[%add3A_23, %dma_start3A_24] : memref<100x128xi32, #tpu.memory_space<vmem>> -> memref<1x128xi32, #tpu.memory_space<vmem>>
        %dma_start3A_26 = tpu.memref_squeeze %dma_start3A_25 : memref<1x128xi32, #tpu.memory_space<vmem>> -> memref<128xi32, #tpu.memory_space<vmem>>
        %dma_start3A_27 = arith.constant 0 : i32
        %dma_start3A_28 = arith.constant 0 : i32
        %dma_start3A_29 = tpu.memref_slice %arg2[%dma_start3A_27, %dma_start3A_28] : memref<10000x64xf32, #tpu.memory_space<hbm>> -> memref<10000x64xf32, #tpu.memory_space<hbm>>
        tpu.enqueue_indirect_dma source(%dma_start3A_29 : memref<10000x64xf32, #tpu.memory_space<hbm>>) target(%arg12 : memref<128x64xf32, #tpu.memory_space<vmem>>) offsets(%dma_start3A_26 : memref<128xi32, #tpu.memory_space<vmem>>) semaphore(%arg15 : memref<!tpu.dma_semaphore, #tpu.memory_space<semaphore_mem>>)
        %dma_wait3A = arith.constant 0 : i32
        %dma_wait3A_30 = tpu.memref_slice %arg9[%mul3A_19, %dma_wait3A] : memref<100x128xi32, #tpu.memory_space<vmem>> -> memref<1x128xi32, #tpu.memory_space<vmem>>
        %dma_wait3A_31 = tpu.memref_squeeze %dma_wait3A_30 : memref<1x128xi32, #tpu.memory_space<vmem>> -> memref<128xi32, #tpu.memory_space<vmem>>
        %dma_wait3A_32 = arith.constant 0 : i32
        %dma_wait3A_33 = arith.constant 0 : i32
        %dma_wait3A_34 = tpu.memref_slice %arg2[%dma_wait3A_32, %dma_wait3A_33] : memref<10000x64xf32, #tpu.memory_space<hbm>> -> memref<10000x64xf32, #tpu.memory_space<hbm>>
        tpu.wait_indirect_dma semaphore(%arg14 : memref<!tpu.dma_semaphore, #tpu.memory_space<semaphore_mem>>) src(%dma_wait3A_34 : memref<10000x64xf32, #tpu.memory_space<hbm>>) dst(%arg11 : memref<128x64xf32, #tpu.memory_space<vmem>>)
        "tpu.region"() ({
          %run_scoped3A = tpu.sem_alloc : memref<!tpu.dma_semaphore, #tpu.memory_space<semaphore_mem>>
          %dma_start3A_47 = arith.constant 0 : i32
          %dma_start3A_48 = tpu.memref_slice %arg10[%mul3A_19, %dma_start3A_47] : memref<100x128xi32, #tpu.memory_space<vmem>> -> memref<1x128xi32, #tpu.memory_space<vmem>>
          %dma_start3A_49 = tpu.memref_squeeze %dma_start3A_48 : memref<1x128xi32, #tpu.memory_space<vmem>> -> memref<128xi32, #tpu.memory_space<vmem>>
          %dma_start3A_50 = arith.constant 0 : i32
          %dma_start3A_51 = arith.constant 0 : i32
          %dma_start3A_52 = tpu.memref_slice %arg13[%dma_start3A_50, %dma_start3A_51] : memref<10112x64xf32, #tpu.memory_space<vmem_shared>> -> memref<10112x64xf32, #tpu.memory_space<vmem_shared>>
          tpu.enqueue_indirect_dma source(%arg11 : memref<128x64xf32, #tpu.memory_space<vmem>>) target(%dma_start3A_52 : memref<10112x64xf32, #tpu.memory_space<vmem_shared>>) offsets(%dma_start3A_49 : memref<128xi32, #tpu.memory_space<vmem>>) semaphore(%run_scoped3A : memref<!tpu.dma_semaphore, #tpu.memory_space<semaphore_mem>>) {add = true}
          %dma_wait3A_53 = arith.constant 0 : i32
          %dma_wait3A_54 = tpu.memref_slice %arg10[%mul3A_19, %dma_wait3A_53] : memref<100x128xi32, #tpu.memory_space<vmem>> -> memref<1x128xi32, #tpu.memory_space<vmem>>
          %dma_wait3A_55 = tpu.memref_squeeze %dma_wait3A_54 : memref<1x128xi32, #tpu.memory_space<vmem>> -> memref<128xi32, #tpu.memory_space<vmem>>
          %dma_wait3A_56 = arith.constant 0 : i32
          %dma_wait3A_57 = arith.constant 0 : i32
          %dma_wait3A_58 = tpu.memref_slice %arg13[%dma_wait3A_56, %dma_wait3A_57] : memref<10112x64xf32, #tpu.memory_space<vmem_shared>> -> memref<10112x64xf32, #tpu.memory_space<vmem_shared>>
          tpu.wait_indirect_dma semaphore(%run_scoped3A : memref<!tpu.dma_semaphore, #tpu.memory_space<semaphore_mem>>) src(%arg11 : memref<128x64xf32, #tpu.memory_space<vmem>>) dst(%dma_wait3A_58 : memref<10112x64xf32, #tpu.memory_space<vmem_shared>>)
          tpu.yield
        }) : () -> ()
        %add3A_35 = arith.constant 2 : i32
        %add3A_36 = arith.addi %mul3A_19, %add3A_35 : i32
        %lt3A = arith.constant 100 : i32
        %lt3A_37 = arith.cmpi slt, %add3A_36, %lt3A : i32
        %convert_element_type3A_38 = arith.extui %lt3A_37 : i1 to i32
        %cond3A_39 = arith.constant 0 : i32
        %cond3A_40 = arith.cmpi ne, %convert_element_type3A_38, %cond3A_39 : i32
        scf.if %cond3A_40 {
          %add3A_47 = arith.constant 2 : i32
          %add3A_48 = arith.addi %mul3A_19, %add3A_47 : i32
          %dma_start3A_49 = arith.constant 0 : i32
          %dma_start3A_50 = tpu.memref_slice %arg9[%add3A_48, %dma_start3A_49] : memref<100x128xi32, #tpu.memory_space<vmem>> -> memref<1x128xi32, #tpu.memory_space<vmem>>
          %dma_start3A_51 = tpu.memref_squeeze %dma_start3A_50 : memref<1x128xi32, #tpu.memory_space<vmem>> -> memref<128xi32, #tpu.memory_space<vmem>>
          %dma_start3A_52 = arith.constant 0 : i32
          %dma_start3A_53 = arith.constant 0 : i32
          %dma_start3A_54 = tpu.memref_slice %arg2[%dma_start3A_52, %dma_start3A_53] : memref<10000x64xf32, #tpu.memory_space<hbm>> -> memref<10000x64xf32, #tpu.memory_space<hbm>>
          tpu.enqueue_indirect_dma source(%dma_start3A_54 : memref<10000x64xf32, #tpu.memory_space<hbm>>) target(%arg11 : memref<128x64xf32, #tpu.memory_space<vmem>>) offsets(%dma_start3A_51 : memref<128xi32, #tpu.memory_space<vmem>>) semaphore(%arg14 : memref<!tpu.dma_semaphore, #tpu.memory_space<semaphore_mem>>)
        } else {
        }
        %dma_wait3A_41 = arith.constant 0 : i32
        %dma_wait3A_42 = tpu.memref_slice %arg9[%add3A_23, %dma_wait3A_41] : memref<100x128xi32, #tpu.memory_space<vmem>> -> memref<1x128xi32, #tpu.memory_space<vmem>>
        %dma_wait3A_43 = tpu.memref_squeeze %dma_wait3A_42 : memref<1x128xi32, #tpu.memory_space<vmem>> -> memref<128xi32, #tpu.memory_space<vmem>>
        %dma_wait3A_44 = arith.constant 0 : i32
        %dma_wait3A_45 = arith.constant 0 : i32
        %dma_wait3A_46 = tpu.memref_slice %arg2[%dma_wait3A_44, %dma_wait3A_45] : memref<10000x64xf32, #tpu.memory_space<hbm>> -> memref<10000x64xf32, #tpu.memory_space<hbm>>
        tpu.wait_indirect_dma semaphore(%arg15 : memref<!tpu.dma_semaphore, #tpu.memory_space<semaphore_mem>>) src(%dma_wait3A_46 : memref<10000x64xf32, #tpu.memory_space<hbm>>) dst(%arg12 : memref<128x64xf32, #tpu.memory_space<vmem>>)
        "tpu.region"() ({
          %run_scoped3A = tpu.sem_alloc : memref<!tpu.dma_semaphore, #tpu.memory_space<semaphore_mem>>
          %dma_start3A_47 = arith.constant 0 : i32
          %dma_start3A_48 = tpu.memref_slice %arg10[%add3A_23, %dma_start3A_47] : memref<100x128xi32, #tpu.memory_space<vmem>> -> memref<1x128xi32, #tpu.memory_space<vmem>>
          %dma_start3A_49 = tpu.memref_squeeze %dma_start3A_48 : memref<1x128xi32, #tpu.memory_space<vmem>> -> memref<128xi32, #tpu.memory_space<vmem>>
          %dma_start3A_50 = arith.constant 0 : i32
          %dma_start3A_51 = arith.constant 0 : i32
          %dma_start3A_52 = tpu.memref_slice %arg13[%dma_start3A_50, %dma_start3A_51] : memref<10112x64xf32, #tpu.memory_space<vmem_shared>> -> memref<10112x64xf32, #tpu.memory_space<vmem_shared>>
          tpu.enqueue_indirect_dma source(%arg12 : memref<128x64xf32, #tpu.memory_space<vmem>>) target(%dma_start3A_52 : memref<10112x64xf32, #tpu.memory_space<vmem_shared>>) offsets(%dma_start3A_49 : memref<128xi32, #tpu.memory_space<vmem>>) semaphore(%run_scoped3A : memref<!tpu.dma_semaphore, #tpu.memory_space<semaphore_mem>>) {add = true}
          %dma_wait3A_53 = arith.constant 0 : i32
          %dma_wait3A_54 = tpu.memref_slice %arg10[%add3A_23, %dma_wait3A_53] : memref<100x128xi32, #tpu.memory_space<vmem>> -> memref<1x128xi32, #tpu.memory_space<vmem>>
          %dma_wait3A_55 = tpu.memref_squeeze %dma_wait3A_54 : memref<1x128xi32, #tpu.memory_space<vmem>> -> memref<128xi32, #tpu.memory_space<vmem>>
          %dma_wait3A_56 = arith.constant 0 : i32
          %dma_wait3A_57 = arith.constant 0 : i32
          %dma_wait3A_58 = tpu.memref_slice %arg13[%dma_wait3A_56, %dma_wait3A_57] : memref<10112x64xf32, #tpu.memory_space<vmem_shared>> -> memref<10112x64xf32, #tpu.memory_space<vmem_shared>>
          tpu.wait_indirect_dma semaphore(%run_scoped3A : memref<!tpu.dma_semaphore, #tpu.memory_space<semaphore_mem>>) src(%arg12 : memref<128x64xf32, #tpu.memory_space<vmem>>) dst(%dma_wait3A_58 : memref<10112x64xf32, #tpu.memory_space<vmem_shared>>)
          tpu.yield
        }) : () -> ()
      }
      %scan3A_16 = arith.constant 50 : i32
    }
    %barrier3A_11 = arith.constant 0 : index
    tpu.barrier barrier_id(%barrier3A_11)
    "tpu.region"() ({
      %run_scoped3A = tpu.sem_alloc : memref<!tpu.dma_semaphore, #tpu.memory_space<semaphore_mem>>
      %dma_start3A_12 = arith.constant 0 : i32
      %dma_start3A_13 = tpu.memref_slice %arg8[%arg0, %mul3A_2, %dma_start3A_12] : memref<2x10112x64xf32, #tpu.memory_space<hbm>> -> memref<1x632x64xf32, #tpu.memory_space<hbm>>
      %dma_start3A_14 = tpu.memref_squeeze %dma_start3A_13 : memref<1x632x64xf32, #tpu.memory_space<hbm>> -> memref<632x64xf32, #tpu.memory_space<hbm>>
      %dma_start3A_15 = arith.constant 0 : i32
      %dma_start3A_16 = tpu.memref_slice %arg13[%mul3A_2, %dma_start3A_15] : memref<10112x64xf32, #tpu.memory_space<vmem_shared>> -> memref<632x64xf32, #tpu.memory_space<vmem_shared>>
      tpu.enqueue_dma source(%dma_start3A_16 : memref<632x64xf32, #tpu.memory_space<vmem_shared>>) target(%dma_start3A_14 : memref<632x64xf32, #tpu.memory_space<hbm>>) target_semaphore(%run_scoped3A : memref<!tpu.dma_semaphore, #tpu.memory_space<semaphore_mem>>)
      %dma_wait3A = arith.constant 0 : i32
      %dma_wait3A_17 = tpu.memref_slice %arg8[%arg0, %mul3A_2, %dma_wait3A] : memref<2x10112x64xf32, #tpu.memory_space<hbm>> -> memref<1x632x64xf32, #tpu.memory_space<hbm>>
      %dma_wait3A_18 = tpu.memref_squeeze %dma_wait3A_17 : memref<1x632x64xf32, #tpu.memory_space<hbm>> -> memref<632x64xf32, #tpu.memory_space<hbm>>
      %dma_wait3A_19 = arith.constant 0 : i32
      %dma_wait3A_20 = tpu.memref_slice %arg13[%mul3A_2, %dma_wait3A_19] : memref<10112x64xf32, #tpu.memory_space<vmem_shared>> -> memref<632x64xf32, #tpu.memory_space<vmem_shared>>
      tpu.wait_dma2 semaphore(%run_scoped3A : memref<!tpu.dma_semaphore, #tpu.memory_space<semaphore_mem>>) src(%dma_wait3A_20 : memref<632x64xf32, #tpu.memory_space<vmem_shared>>) dst(%dma_wait3A_18 : memref<632x64xf32, #tpu.memory_space<hbm>>)
      tpu.yield
    }) : () -> ()
    return
  }
}

module attributes {stable_mosaic.version = 14 : i64} {
  func.func @_pre_body(%arg0: i32, %arg1: memref<1000x128xf32, #tpu.memory_space<vmem>>, %arg2: memref<64x128xf32, #tpu.memory_space<vmem>>, %arg3: memref<64x128xf32, #tpu.memory_space<vmem>>, %arg4: memref<1000x64xf32, #tpu.memory_space<vmem>>, %arg5: memref<1000x64xf32, #tpu.memory_space<vmem>>) attributes {dimension_semantics = [#tpu.dimension_semantics<arbitrary>], iteration_bounds = array<i64: 10>, scalar_prefetch = 0 : i64, scratch_operands = 0 : i64, tpu.core_type = #tpu.core_type<tc>, window_params = [{transform_indices = @transform_0, window_bounds = array<i64: 1000, 128>}, {pipeline_mode = #tpu.pipeline_mode<synchronous>, transform_indices = @transform_1, window_bounds = array<i64: 64, 128>}, {pipeline_mode = #tpu.pipeline_mode<synchronous>, transform_indices = @transform_2, window_bounds = array<i64: 64, 128>}, {transform_indices = @transform_3, window_bounds = array<i64: 1000, 64>}, {transform_indices = @transform_4, window_bounds = array<i64: 1000, 64>}]} {
    %get3A = arith.constant 0 : index
    %get3A_0 = arith.constant 0 : index
    %get3A_1 = vector.load %arg1[%get3A, %get3A_0] : memref<1000x128xf32, #tpu.memory_space<vmem>>, vector<1000x128xf32>
    %get3A_2 = arith.constant 0 : index
    %get3A_3 = arith.constant 0 : index
    %get3A_4 = vector.load %arg2[%get3A_2, %get3A_3] : memref<64x128xf32, #tpu.memory_space<vmem>>, vector<64x128xf32>
    %dot_general3A = arith.constant dense<0.000000e+00> : vector<1000x64xf32>
    %dot_general3A_5 = tpu.matmul %get3A_1, %get3A_4, %dot_general3A {dimension_numbers = #tpu.dot_dimension_numbers<[1], [1], [0], [0], [0, 0, 1, 0], [], []>, transpose_lhs_hint = false} : vector<1000x128xf32>, vector<64x128xf32>, vector<1000x64xf32> -> vector<1000x64xf32>
    %swap3A = arith.constant 0 : index
    %swap3A_6 = arith.constant 0 : index
    %swap3A_7 = vector.load %arg4[%swap3A, %swap3A_6] : memref<1000x64xf32, #tpu.memory_space<vmem>>, vector<1000x64xf32>
    tpu.vector_store %arg4[%swap3A, %swap3A_6], %dot_general3A_5 {strides = array<i32>} : memref<1000x64xf32, #tpu.memory_space<vmem>>, vector<1000x64xf32>,
    %get3A_8 = arith.constant 0 : index
    %get3A_9 = arith.constant 0 : index
    %get3A_10 = vector.load %arg3[%get3A_8, %get3A_9] : memref<64x128xf32, #tpu.memory_space<vmem>>, vector<64x128xf32>
    %dot_general3A_11 = arith.constant dense<0.000000e+00> : vector<1000x64xf32>
    %dot_general3A_12 = tpu.matmul %get3A_1, %get3A_10, %dot_general3A_11 {dimension_numbers = #tpu.dot_dimension_numbers<[1], [1], [0], [0], [0, 0, 1, 0], [], []>, transpose_lhs_hint = false} : vector<1000x128xf32>, vector<64x128xf32>, vector<1000x64xf32> -> vector<1000x64xf32>
    %swap3A_13 = arith.constant 0 : index
    %swap3A_14 = arith.constant 0 : index
    %swap3A_15 = vector.load %arg5[%swap3A_13, %swap3A_14] : memref<1000x64xf32, #tpu.memory_space<vmem>>, vector<1000x64xf32>
    tpu.vector_store %arg5[%swap3A_13, %swap3A_14], %dot_general3A_12 {strides = array<i32>} : memref<1000x64xf32, #tpu.memory_space<vmem>>, vector<1000x64xf32>,
    return
  }
  func.func @transform_0(%arg0: i32) -> (i32, i32) {
    %c0_i32 = arith.constant 0 : i32
    %c0_i32_0 = arith.constant 0 : i32
    return %arg0, %c0_i32 : i32, i32
  }
  func.func @transform_1(%arg0: i32) -> (i32, i32) {
    %c0_i32 = arith.constant 0 : i32
    %c0_i32_0 = arith.constant 0 : i32
    %c0_i32_1 = arith.constant 0 : i32
    return %c0_i32, %c0_i32_0 : i32, i32
  }
  func.func @transform_2(%arg0: i32) -> (i32, i32) {
    %c0_i32 = arith.constant 0 : i32
    %c0_i32_0 = arith.constant 0 : i32
    %c0_i32_1 = arith.constant 0 : i32
    return %c0_i32, %c0_i32_0 : i32, i32
  }
  func.func @transform_3(%arg0: i32) -> (i32, i32) {
    %c0_i32 = arith.constant 0 : i32
    %c0_i32_0 = arith.constant 0 : i32
    return %arg0, %c0_i32 : i32, i32
  }
  func.func @transform_4(%arg0: i32) -> (i32, i32) {
    %c0_i32 = arith.constant 0 : i32
    %c0_i32_0 = arith.constant 0 : i32
    return %arg0, %c0_i32 : i32, i32
  }
}

module attributes {stable_mosaic.version = 14 : i64} {
  func.func @_renc_body(%arg0: i32, %arg1: memref<1000x1000xf32, #tpu.memory_space<vmem>>, %arg2: memref<64x1000xf32, #tpu.memory_space<vmem>>, %arg3: memref<1000x64xf32, #tpu.memory_space<vmem>>) attributes {dimension_semantics = [#tpu.dimension_semantics<arbitrary>], iteration_bounds = array<i64: 10>, scalar_prefetch = 0 : i64, scratch_operands = 0 : i64, tpu.core_type = #tpu.core_type<tc>, window_params = [{transform_indices = @transform_0, window_bounds = array<i64: 1000, 1000>}, {pipeline_mode = #tpu.pipeline_mode<synchronous>, transform_indices = @transform_1, window_bounds = array<i64: 64, 1000>}, {transform_indices = @transform_2, window_bounds = array<i64: 1000, 64>}]} {
    %get3A = arith.constant 0 : index
    %get3A_0 = arith.constant 0 : index
    %get3A_1 = vector.load %arg1[%get3A, %get3A_0] : memref<1000x1000xf32, #tpu.memory_space<vmem>>, vector<1000x1000xf32>
    %get3A_2 = arith.constant 0 : index
    %get3A_3 = arith.constant 0 : index
    %get3A_4 = vector.load %arg2[%get3A_2, %get3A_3] : memref<64x1000xf32, #tpu.memory_space<vmem>>, vector<64x1000xf32>
    %dot_general3A = arith.constant dense<0.000000e+00> : vector<1000x64xf32>
    %dot_general3A_5 = tpu.matmul %get3A_1, %get3A_4, %dot_general3A {dimension_numbers = #tpu.dot_dimension_numbers<[1], [1], [0], [0], [0, 0, 1, 0], [], []>, transpose_lhs_hint = false} : vector<1000x1000xf32>, vector<64x1000xf32>, vector<1000x64xf32> -> vector<1000x64xf32>
    %swap3A = arith.constant 0 : index
    %swap3A_6 = arith.constant 0 : index
    %swap3A_7 = vector.load %arg3[%swap3A, %swap3A_6] : memref<1000x64xf32, #tpu.memory_space<vmem>>, vector<1000x64xf32>
    tpu.vector_store %arg3[%swap3A, %swap3A_6], %dot_general3A_5 {strides = array<i32>} : memref<1000x64xf32, #tpu.memory_space<vmem>>, vector<1000x64xf32>,
    return
  }
  func.func @transform_0(%arg0: i32) -> (i32, i32) {
    %c0_i32 = arith.constant 0 : i32
    %c0_i32_0 = arith.constant 0 : i32
    return %arg0, %c0_i32 : i32, i32
  }
  func.func @transform_1(%arg0: i32) -> (i32, i32) {
    %c0_i32 = arith.constant 0 : i32
    %c0_i32_0 = arith.constant 0 : i32
    %c0_i32_1 = arith.constant 0 : i32
    return %c0_i32, %c0_i32_0 : i32, i32
  }
  func.func @transform_2(%arg0: i32) -> (i32, i32) {
    %c0_i32 = arith.constant 0 : i32
    %c0_i32_0 = arith.constant 0 : i32
    return %arg0, %c0_i32 : i32, i32
  }
}

module attributes {stable_mosaic.version = 14 : i64} {
  func.func @_mid_body(%arg0: i32, %arg1: memref<2x1000x64xf32, #tpu.memory_space<vmem>>, %arg2: memref<2x1000x16xf32, #tpu.memory_space<vmem>>, %arg3: memref<1000x64xf32, #tpu.memory_space<vmem>>, %arg4: memref<1000x64xf32, #tpu.memory_space<vmem>>, %arg5: memref<1000x64xf32, #tpu.memory_space<vmem>>, %arg6: memref<1x64xf32, #tpu.memory_space<vmem>>, %arg7: memref<1x64xf32, #tpu.memory_space<vmem>>, %arg8: memref<64x64xf32, #tpu.memory_space<vmem>>, %arg9: memref<64x64xf32, #tpu.memory_space<vmem>>, %arg10: memref<1000x64xf32, #tpu.memory_space<vmem>>, %arg11: memref<1000x64xf32, #tpu.memory_space<vmem>>, %arg12: memref<1000x16xf32, #tpu.memory_space<vmem>>) attributes {dimension_semantics = [#tpu.dimension_semantics<arbitrary>], iteration_bounds = array<i64: 10>, scalar_prefetch = 0 : i64, scratch_operands = 0 : i64, tpu.core_type = #tpu.core_type<tc>, window_params = [{transform_indices = @transform_0, window_bounds = array<i64: 2, 1000, 64>}, {transform_indices = @transform_1, window_bounds = array<i64: 2, 1000, 16>}, {transform_indices = @transform_2, window_bounds = array<i64: 1000, 64>}, {transform_indices = @transform_3, window_bounds = array<i64: 1000, 64>}, {transform_indices = @transform_4, window_bounds = array<i64: 1000, 64>}, {pipeline_mode = #tpu.pipeline_mode<synchronous>, transform_indices = @transform_5, window_bounds = array<i64: 1, 64>}, {pipeline_mode = #tpu.pipeline_mode<synchronous>, transform_indices = @transform_6, window_bounds = array<i64: 1, 64>}, {pipeline_mode = #tpu.pipeline_mode<synchronous>, transform_indices = @transform_7, window_bounds = array<i64: 64, 64>}, {pipeline_mode = #tpu.pipeline_mode<synchronous>, transform_indices = @transform_8, window_bounds = array<i64: 64, 64>}, {transform_indices = @transform_9, window_bounds = array<i64: 1000, 64>}, {transform_indices = @transform_10, window_bounds = array<i64: 1000, 64>}, {transform_indices = @transform_11, window_bounds = array<i64: 1000, 16>}]} {
    %get3A = arith.constant 0 : index
    %get3A_0 = arith.constant 0 : index
    %get3A_1 = arith.constant 0 : index
    %get3A_2 = vector.load %arg1[%get3A, %get3A_0, %get3A_1] : memref<2x1000x64xf32, #tpu.memory_space<vmem>>, vector<1x1000x64xf32>
    %get3A_3 = vector.shape_cast %get3A_2 : vector<1x1000x64xf32> to vector<1000x64xf32>
    %get3A_4 = arith.constant 1 : index
    %get3A_5 = arith.constant 0 : index
    %get3A_6 = arith.constant 0 : index
    %get3A_7 = vector.load %arg1[%get3A_4, %get3A_5, %get3A_6] : memref<2x1000x64xf32, #tpu.memory_space<vmem>>, vector<1x1000x64xf32>
    %get3A_8 = vector.shape_cast %get3A_7 : vector<1x1000x64xf32> to vector<1000x64xf32>
    %add3A = arith.addf %get3A_3, %get3A_8 : vector<1000x64xf32>
    %get3A_9 = arith.constant 0 : index
    %get3A_10 = arith.constant 0 : index
    %get3A_11 = arith.constant 0 : index
    %get3A_12 = vector.load %arg2[%get3A_9, %get3A_10, %get3A_11] : memref<2x1000x16xf32, #tpu.memory_space<vmem>>, vector<1x1000x16xf32>
    %get3A_13 = vector.shape_cast %get3A_12 : vector<1x1000x16xf32> to vector<1000x16xf32>
    %get3A_14 = arith.constant 1 : index
    %get3A_15 = arith.constant 0 : index
    %get3A_16 = arith.constant 0 : index
    %get3A_17 = vector.load %arg2[%get3A_14, %get3A_15, %get3A_16] : memref<2x1000x16xf32, #tpu.memory_space<vmem>>, vector<1x1000x16xf32>
    %get3A_18 = vector.shape_cast %get3A_17 : vector<1x1000x16xf32> to vector<1000x16xf32>
    %add3A_19 = arith.addf %get3A_13, %get3A_18 : vector<1000x16xf32>
    %slice3A = vector.extract_strided_slice %add3A_19 {offsets = [0, 0], sizes = [1000, 1], strides = [1, 1]} : vector<1000x16xf32> to vector<1000x1xf32>
    %max3A = arith.constant 1.000000e+00 : f32
    %max3A_20 = vector.broadcast %max3A : f32 to vector<1000x1xf32>
    %max3A_21 = arith.maximumf %slice3A, %max3A_20 : vector<1000x1xf32>
    %div3A = vector.broadcast %max3A_21 : vector<1000x1xf32> to vector<1000x64xf32>
    %div3A_22 = arith.divf %add3A, %div3A : vector<1000x64xf32>
    %get3A_23 = arith.constant 0 : index
    %get3A_24 = arith.constant 0 : index
    %get3A_25 = vector.load %arg6[%get3A_23, %get3A_24] : memref<1x64xf32, #tpu.memory_space<vmem>>, vector<1x64xf32>
    %add3A_26 = vector.broadcast %get3A_25 : vector<1x64xf32> to vector<1000x64xf32>
    %add3A_27 = arith.addf %div3A_22, %add3A_26 : vector<1000x64xf32>
    %get3A_28 = arith.constant 0 : index
    %get3A_29 = arith.constant 0 : index
    %get3A_30 = vector.load %arg3[%get3A_28, %get3A_29] : memref<1000x64xf32, #tpu.memory_space<vmem>>, vector<1000x64xf32>
    %add3A_31 = arith.addf %add3A_27, %get3A_30 : vector<1000x64xf32>
    %max3A_32 = arith.constant 0.000000e+00 : f32
    %max3A_33 = vector.broadcast %max3A_32 : f32 to vector<1000x64xf32>
    %max3A_34 = arith.maximumf %add3A_31, %max3A_33 : vector<1000x64xf32>
    %get3A_35 = arith.constant 0 : index
    %get3A_36 = arith.constant 0 : index
    %get3A_37 = vector.load %arg4[%get3A_35, %get3A_36] : memref<1000x64xf32, #tpu.memory_space<vmem>>, vector<1000x64xf32>
    %mul3A = arith.mulf %max3A_34, %get3A_37 : vector<1000x64xf32>
    %get3A_38 = arith.constant 0 : index
    %get3A_39 = arith.constant 0 : index
    %get3A_40 = vector.load %arg8[%get3A_38, %get3A_39] : memref<64x64xf32, #tpu.memory_space<vmem>>, vector<64x64xf32>
    %dot_general3A = arith.constant dense<0.000000e+00> : vector<1000x64xf32>
    %dot_general3A_41 = tpu.matmul %mul3A, %get3A_40, %dot_general3A {dimension_numbers = #tpu.dot_dimension_numbers<[1], [1], [0], [0], [0, 0, 1, 0], [], []>, transpose_lhs_hint = false} : vector<1000x64xf32>, vector<64x64xf32>, vector<1000x64xf32> -> vector<1000x64xf32>
    %swap3A = arith.constant 0 : index
    %swap3A_42 = arith.constant 0 : index
    %swap3A_43 = vector.load %arg10[%swap3A, %swap3A_42] : memref<1000x64xf32, #tpu.memory_space<vmem>>, vector<1000x64xf32>
    tpu.vector_store %arg10[%swap3A, %swap3A_42], %dot_general3A_41 {strides = array<i32>} : memref<1000x64xf32, #tpu.memory_space<vmem>>, vector<1000x64xf32>,
    %get3A_44 = arith.constant 0 : index
    %get3A_45 = arith.constant 0 : index
    %get3A_46 = vector.load %arg9[%get3A_44, %get3A_45] : memref<64x64xf32, #tpu.memory_space<vmem>>, vector<64x64xf32>
    %dot_general3A_47 = arith.constant dense<0.000000e+00> : vector<1000x64xf32>
    %dot_general3A_48 = tpu.matmul %mul3A, %get3A_46, %dot_general3A_47 {dimension_numbers = #tpu.dot_dimension_numbers<[1], [1], [0], [0], [0, 0, 1, 0], [], []>, transpose_lhs_hint = false} : vector<1000x64xf32>, vector<64x64xf32>, vector<1000x64xf32> -> vector<1000x64xf32>
    %get3A_49 = arith.constant 0 : index
    %get3A_50 = arith.constant 0 : index
    %get3A_51 = vector.load %arg5[%get3A_49, %get3A_50] : memref<1000x64xf32, #tpu.memory_space<vmem>>, vector<1000x64xf32>
    %add3A_52 = arith.addf %dot_general3A_48, %get3A_51 : vector<1000x64xf32>
    %get3A_53 = arith.constant 0 : index
    %get3A_54 = arith.constant 0 : index
    %get3A_55 = vector.load %arg7[%get3A_53, %get3A_54] : memref<1x64xf32, #tpu.memory_space<vmem>>, vector<1x64xf32>
    %add3A_56 = vector.broadcast %get3A_55 : vector<1x64xf32> to vector<1000x64xf32>
    %add3A_57 = arith.addf %add3A_52, %add3A_56 : vector<1000x64xf32>
    %swap3A_58 = arith.constant 0 : index
    %swap3A_59 = arith.constant 0 : index
    %swap3A_60 = vector.load %arg11[%swap3A_58, %swap3A_59] : memref<1000x64xf32, #tpu.memory_space<vmem>>, vector<1000x64xf32>
    tpu.vector_store %arg11[%swap3A_58, %swap3A_59], %add3A_57 {strides = array<i32>} : memref<1000x64xf32, #tpu.memory_space<vmem>>, vector<1000x64xf32>,
    %swap3A_61 = arith.constant 0 : index
    %swap3A_62 = arith.constant 0 : index
    %swap3A_63 = vector.load %arg12[%swap3A_61, %swap3A_62] : memref<1000x16xf32, #tpu.memory_space<vmem>>, vector<1000x16xf32>
    tpu.vector_store %arg12[%swap3A_61, %swap3A_62], %add3A_19 {strides = array<i32>} : memref<1000x16xf32, #tpu.memory_space<vmem>>, vector<1000x16xf32>,
    return
  }
  func.func @transform_0(%arg0: i32) -> (i32, i32, i32) {
    %c0_i32 = arith.constant 0 : i32
    %c0_i32_0 = arith.constant 0 : i32
    %c0_i32_1 = arith.constant 0 : i32
    return %c0_i32, %arg0, %c0_i32_0 : i32, i32, i32
  }
  func.func @transform_1(%arg0: i32) -> (i32, i32, i32) {
    %c0_i32 = arith.constant 0 : i32
    %c0_i32_0 = arith.constant 0 : i32
    %c0_i32_1 = arith.constant 0 : i32
    return %c0_i32, %arg0, %c0_i32_0 : i32, i32, i32
  }
  func.func @transform_2(%arg0: i32) -> (i32, i32) {
    %c0_i32 = arith.constant 0 : i32
    %c0_i32_0 = arith.constant 0 : i32
    return %arg0, %c0_i32 : i32, i32
  }
  func.func @transform_3(%arg0: i32) -> (i32, i32) {
    %c0_i32 = arith.constant 0 : i32
    %c0_i32_0 = arith.constant 0 : i32
    return %arg0, %c0_i32 : i32, i32
  }
  func.func @transform_4(%arg0: i32) -> (i32, i32) {
    %c0_i32 = arith.constant 0 : i32
    %c0_i32_0 = arith.constant 0 : i32
    return %arg0, %c0_i32 : i32, i32
  }
  func.func @transform_5(%arg0: i32) -> (i32, i32) {
    %c0_i32 = arith.constant 0 : i32
    %c0_i32_0 = arith.constant 0 : i32
    %c0_i32_1 = arith.constant 0 : i32
    return %c0_i32, %c0_i32_0 : i32, i32
  }
  func.func @transform_6(%arg0: i32) -> (i32, i32) {
    %c0_i32 = arith.constant 0 : i32
    %c0_i32_0 = arith.constant 0 : i32
    %c0_i32_1 = arith.constant 0 : i32
    return %c0_i32, %c0_i32_0 : i32, i32
  }
  func.func @transform_7(%arg0: i32) -> (i32, i32) {
    %c0_i32 = arith.constant 0 : i32
    %c0_i32_0 = arith.constant 0 : i32
    %c0_i32_1 = arith.constant 0 : i32
    return %c0_i32, %c0_i32_0 : i32, i32
  }
  func.func @transform_8(%arg0: i32) -> (i32, i32) {
    %c0_i32 = arith.constant 0 : i32
    %c0_i32_0 = arith.constant 0 : i32
    %c0_i32_1 = arith.constant 0 : i32
    return %c0_i32, %c0_i32_0 : i32, i32
  }
  func.func @transform_9(%arg0: i32) -> (i32, i32) {
    %c0_i32 = arith.constant 0 : i32
    %c0_i32_0 = arith.constant 0 : i32
    return %arg0, %c0_i32 : i32, i32
  }
  func.func @transform_10(%arg0: i32) -> (i32, i32) {
    %c0_i32 = arith.constant 0 : i32
    %c0_i32_0 = arith.constant 0 : i32
    return %arg0, %c0_i32 : i32, i32
  }
  func.func @transform_11(%arg0: i32) -> (i32, i32) {
    %c0_i32 = arith.constant 0 : i32
    %c0_i32_0 = arith.constant 0 : i32
    return %arg0, %c0_i32 : i32, i32
  }
}

module attributes {stable_mosaic.version = 14 : i64} {
  func.func @_dec_body(%arg0: i32, %arg1: memref<512x64xf32, #tpu.memory_space<vmem>>, %arg2: memref<512x64xf32, #tpu.memory_space<vmem>>, %arg3: memref<512x64xf32, #tpu.memory_space<vmem>>, %arg4: memref<512x16xf32, #tpu.memory_space<vmem>>, %arg5: memref<1000x64xf32, #tpu.memory_space<vmem>>, %arg6: memref<1x1000xf32, #tpu.memory_space<vmem>>, %arg7: memref<512x1000xf32, #tpu.memory_space<vmem>>) attributes {dimension_semantics = [#tpu.dimension_semantics<arbitrary>], iteration_bounds = array<i64: 8>, scalar_prefetch = 0 : i64, scratch_operands = 0 : i64, tpu.core_type = #tpu.core_type<tc>, window_params = [{transform_indices = @transform_0, window_bounds = array<i64: 512, 64>}, {transform_indices = @transform_1, window_bounds = array<i64: 512, 64>}, {transform_indices = @transform_2, window_bounds = array<i64: 512, 64>}, {transform_indices = @transform_3, window_bounds = array<i64: 512, 16>}, {pipeline_mode = #tpu.pipeline_mode<synchronous>, transform_indices = @transform_4, window_bounds = array<i64: 1000, 64>}, {pipeline_mode = #tpu.pipeline_mode<synchronous>, transform_indices = @transform_5, window_bounds = array<i64: 1, 1000>}, {transform_indices = @transform_6, window_bounds = array<i64: 512, 1000>}]} {
    %get3A = arith.constant 0 : index
    %get3A_0 = arith.constant 0 : index
    %get3A_1 = vector.load %arg1[%get3A, %get3A_0] : memref<512x64xf32, #tpu.memory_space<vmem>>, vector<512x64xf32>
    %get3A_2 = arith.constant 0 : index
    %get3A_3 = arith.constant 0 : index
    %get3A_4 = vector.load %arg2[%get3A_2, %get3A_3] : memref<512x64xf32, #tpu.memory_space<vmem>>, vector<512x64xf32>
    %add3A = arith.addf %get3A_1, %get3A_4 : vector<512x64xf32>
    %get3A_5 = arith.constant 0 : index
    %get3A_6 = arith.constant 0 : index
    %get3A_7 = vector.load %arg4[%get3A_5, %get3A_6] : memref<512x16xf32, #tpu.memory_space<vmem>>, vector<512x1xf32>
    %max3A = arith.constant 1.000000e+00 : f32
    %max3A_8 = vector.broadcast %max3A : f32 to vector<512x1xf32>
    %max3A_9 = arith.maximumf %get3A_7, %max3A_8 : vector<512x1xf32>
    %div3A = vector.broadcast %max3A_9 : vector<512x1xf32> to vector<512x64xf32>
    %div3A_10 = arith.divf %add3A, %div3A : vector<512x64xf32>
    %get3A_11 = arith.constant 0 : index
    %get3A_12 = arith.constant 0 : index
    %get3A_13 = vector.load %arg3[%get3A_11, %get3A_12] : memref<512x64xf32, #tpu.memory_space<vmem>>, vector<512x64xf32>
    %add3A_14 = arith.addf %div3A_10, %get3A_13 : vector<512x64xf32>
    %logistic3A = arith.negf %add3A_14 : vector<512x64xf32>
    %logistic3A_15 = math.exp %logistic3A : vector<512x64xf32>
    %logistic3A_16 = arith.constant 1.000000e+00 : f32
    %logistic3A_17 = vector.broadcast %logistic3A_16 : f32 to vector<512x64xf32>
    %logistic3A_18 = arith.addf %logistic3A_17, %logistic3A_15 : vector<512x64xf32>
    %logistic3A_19 = arith.divf %logistic3A_17, %logistic3A_18 : vector<512x64xf32>
    %get3A_20 = arith.constant 0 : index
    %get3A_21 = arith.constant 0 : index
    %get3A_22 = vector.load %arg5[%get3A_20, %get3A_21] : memref<1000x64xf32, #tpu.memory_space<vmem>>, vector<1000x64xf32>
    %dot_general3A = arith.constant dense<0.000000e+00> : vector<512x1000xf32>
    %dot_general3A_23 = tpu.matmul %logistic3A_19, %get3A_22, %dot_general3A {dimension_numbers = #tpu.dot_dimension_numbers<[1], [1], [0], [0], [0, 0, 1, 0], [], []>, transpose_lhs_hint = false} : vector<512x64xf32>, vector<1000x64xf32>, vector<512x1000xf32> -> vector<512x1000xf32>
    %get3A_24 = arith.constant 0 : index
    %get3A_25 = arith.constant 0 : index
    %get3A_26 = vector.load %arg6[%get3A_24, %get3A_25] : memref<1x1000xf32, #tpu.memory_space<vmem>>, vector<1x1000xf32>
    %add3A_27 = vector.broadcast %get3A_26 : vector<1x1000xf32> to vector<512x1000xf32>
    %add3A_28 = arith.addf %dot_general3A_23, %add3A_27 : vector<512x1000xf32>
    %logistic3A_29 = arith.negf %add3A_28 : vector<512x1000xf32>
    %logistic3A_30 = math.exp %logistic3A_29 : vector<512x1000xf32>
    %logistic3A_31 = arith.constant 1.000000e+00 : f32
    %logistic3A_32 = vector.broadcast %logistic3A_31 : f32 to vector<512x1000xf32>
    %logistic3A_33 = arith.addf %logistic3A_32, %logistic3A_30 : vector<512x1000xf32>
    %logistic3A_34 = arith.divf %logistic3A_32, %logistic3A_33 : vector<512x1000xf32>
    %swap3A = arith.constant 0 : index
    %swap3A_35 = arith.constant 0 : index
    %swap3A_36 = vector.load %arg7[%swap3A, %swap3A_35] : memref<512x1000xf32, #tpu.memory_space<vmem>>, vector<512x1000xf32>
    tpu.vector_store %arg7[%swap3A, %swap3A_35], %logistic3A_34 {strides = array<i32>} : memref<512x1000xf32, #tpu.memory_space<vmem>>, vector<512x1000xf32>,
    return
  }
  func.func @transform_0(%arg0: i32) -> (i32, i32) {
    %c0_i32 = arith.constant 0 : i32
    %c0_i32_0 = arith.constant 0 : i32
    return %arg0, %c0_i32 : i32, i32
  }
  func.func @transform_1(%arg0: i32) -> (i32, i32) {
    %c0_i32 = arith.constant 0 : i32
    %c0_i32_0 = arith.constant 0 : i32
    return %arg0, %c0_i32 : i32, i32
  }
  func.func @transform_2(%arg0: i32) -> (i32, i32) {
    %c0_i32 = arith.constant 0 : i32
    %c0_i32_0 = arith.constant 0 : i32
    return %arg0, %c0_i32 : i32, i32
  }
  func.func @transform_3(%arg0: i32) -> (i32, i32) {
    %c0_i32 = arith.constant 0 : i32
    %c0_i32_0 = arith.constant 0 : i32
    return %arg0, %c0_i32 : i32, i32
  }
  func.func @transform_4(%arg0: i32) -> (i32, i32) {
    %c0_i32 = arith.constant 0 : i32
    %c0_i32_0 = arith.constant 0 : i32
    %c0_i32_1 = arith.constant 0 : i32
    return %c0_i32, %c0_i32_0 : i32, i32
  }
  func.func @transform_5(%arg0: i32) -> (i32, i32) {
    %c0_i32 = arith.constant 0 : i32
    %c0_i32_0 = arith.constant 0 : i32
    %c0_i32_1 = arith.constant 0 : i32
    return %c0_i32, %c0_i32_0 : i32, i32
  }
  func.func @transform_6(%arg0: i32) -> (i32, i32) {
    %c0_i32 = arith.constant 0 : i32
    %c0_i32_0 = arith.constant 0 : i32
    return %arg0, %c0_i32 : i32, i32
  }
}

</mosaic_0001>

<sc_bundles>
// kernel: kernel.12.cloned.1.call-start
scs
__scs_entry_jumppad:
0x0: {  	(pc) =	sbr.rel $0x88, $3  }
0x1: {  	(tag) =	ssettag $0x0;
	lr =	simm.s32 $0x1  }
0x2: {  	[smem:$0x3F93] =	sst lr;
	_ =	strace $0xD0000000  }
0x3: {  	_ = 	snop  }
0x4: {  	_ = 	snop  }
0x5: {  	_ = 	snop  }
0x6: {  	_ = 	snop  }
0x7: {  	_ = 	snop  }
__scs_overlays_trampoline_lowered:
0x8: {  	[smem:$0x3FA2] =	sst s0  }
0x9: {  	[smem:$0x3FA3] =	sst s1  }
0xa: {  	[smem:$0x3FA4] =	sst s2  }
0xb: {  	[smem:$0x3FA5] =	sst s3  }
0xc: {  	[smem:$0x3FA6] =	sst s4  }
0xd: {  	[smem:$0x3FA7] =	sst s5  }
0xe: {  	[smem:$0x3FA8] =	sst s6  }
0xf: {  	[smem:$0x3FA9] =	sst s7  }
0x10: {  	[smem:$0x3FAA] =	sst s8  }
0x11: {  	[smem:$0x3FAB] =	sst s9;
	s0 =	simm.s32 @!p0 $0x0  }
0x12: {  	s1 =	sld [smem:$0x3F91];
	s0 =	simm.s32 @p0 $0x1  }
0x13: {  	[smem:$0x3FAC] =	sst s0;
	s0 =	simm.s32 @!p1 $0x0  }
0x14: {  	s2 =	sld [smem:$0x3F90];
	s0 =	simm.s32 @p1 $0x1  }
0x15: {  	[smem:$0x3FAD] =	sst s0;
	s0 =	simm.s32 @!p2 $0x0  }
0x16: {  	s3 =	sld [smem:$0x3FDB];
	s0 =	simm.s32 @p2 $0x1  }
0x17: {  	s4 =	simm.s32 $0x1BF5;
	[smem:$0x3FAF] =	sst s0  }
0x18: {  	s0 =	sld [smem:$0x3F92];
	_ =	swait.ge [sflag:s4], $0x0  }
0x19: {  	s7 =	sld [smem:$0x3F93]  }
0x1a: {  	s8 =	sadd.s32 $0xFFFFE003, lr  }
0x1b: {  	s9 =	sadd.s32 $0xFFFFFEF7, lr;
	s5 =	simm.s32 $0xFFFFFFFF;
	p2 =	slt.u32 s8, $0xFFFFF086  }
0x1c: {  	p1 =	slt.u32 s9, $0xF7A;
	s5 =	simm.s32 @!p2 $0x0  }
0x1d: {  	s5 =	simm.s32 @p1 $0x1;
	p0 =	seq.s32 s7, s2  }
0x1e: {  	s7 =	smul.u32 @!p0 $0xF7A, s2;
	p2 =	seq.s32 @!p0 s5, $0x0  }
0x1f: {  	s9 =	smul.u32 $0xF7A, s1;
	s8 =	simm.s32 @!p0 $0x1BF5;
	p2 =	por !p2, p0  }
0x20: {  	[sflag:s8] =	ssyncset.s32 @!p0 $0xFFFFF086;
	s6 =	sadd.s32 @!p0 s3, s7;
	s7 =	simm.s32 @!p0 $0x108  }
0x21: {  	s3 =	sadd.s32 s3, s9;
	s6 =	sadd.s32 @!p0 $0x88, s6;
	s7 =	simm.s32 @p2 $0x1082  }
0x22: {  	[simem:s7], [sflag:s8] =	dma.local @!p0 [hbm:s6], $0xF7A  }
0x23: {  	s9 =	sor.u32 $0xD0000000, s2;
	s6 =	simm.s32 $0x108;
	_ =	swait.ge @!p0 [sflag:s8], $0x0  }
0x24: {  	s3 =	sadd.s32 $0x88, s3;
	s6 =	simm.s32 @!p1 $0x1082;
	[sflag:s4] =	ssyncset.s32 $0xFFFFF086  }
0x25: {  	[simem:s6], [sflag:s4] =	dma.local [hbm:s3], $0xF7A  }
0x26: {  	[smem:$0x3F93] =	sst s1;
	(tag) =	ssettag s2;
	_ =	strace s9  }
0x27: {  	s1 =	sld [smem:$0x3FA3]  }
0x28: {  	s2 =	sld [smem:$0x3FA4]  }
0x29: {  	s4 =	sld [smem:$0x3FA6]  }
0x2a: {  	p0 =	seq.s32 s5, $0x0;
	s5 =	sld [smem:$0x3FA7]  }
0x2b: {  	s6 =	sld [smem:$0x3FA8]  }
0x2c: {  	s7 =	sld [smem:$0x3FA9]  }
0x2d: {  	s3 =	simm.s32 $0x108;
	s8 =	sld [smem:$0x3FAA]  }
0x2e: {  	s3 =	simm.s32 @!p0 $0x1082;
	s9 =	sld [smem:$0x3FAB]  }
0x2f: {  	lr =	sadd.s32 s0, s3;
	s0 =	sld [smem:$0x3FA2]  }
0x30: {  	s3 =	sld [smem:$0x3FA5]  }
0x31: {  	[smem:$0x3FAE] =	sst s10  }
0x32: {  	s10 =	sld [smem:$0x3FAC];
	_ =	sdelay $0x3  }
0x33: {  	p0 =	seq.s32 s10, $0x1;
	s10 =	sld [smem:$0x3FAE];
	_ =	sdelay $0x3  }
0x34: {  	[smem:$0x3FAE] =	sst s10  }
0x35: {  	s10 =	sld [smem:$0x3FAD];
	_ =	sdelay $0x3  }
0x36: {  	p1 =	seq.s32 s10, $0x1;
	s10 =	sld [smem:$0x3FAE];
	_ =	sdelay $0x3  }
0x37: {  	[smem:$0x3FAE] =	sst s10  }
0x38: {  	s10 =	sld [smem:$0x3FAF]  }
0x39: {  	_ = 	snop;
	(pc) =	sbr.ind lr, $3  }
0x3a: {  	_ = 	snop  }
0x3b: {  	_ = 	snop  }
0x3c: {  	p2 =	seq.s32 s10, $0x1;
	s10 =	sld [smem:$0x3FAE]  }
0x3d: {  	_ =	shalt  }
0x3e: {  	_ =	shalt  }
0x3f: {  	_ =	shalt  }
0x40: {  	_ =	shalt  }
0x41: {  	_ =	shalt  }
0x42: {  	_ =	shalt  }
0x43: {  	_ =	shalt  }
0x44: {  	_ =	shalt  }
0x45: {  	_ =	shalt  }
0x46: {  	_ =	shalt  }
0x47: {  	_ =	shalt  }
0x48: {  	_ =	shalt  }
0x49: {  	_ =	shalt  }
0x4a: {  	_ =	shalt  }
0x4b: {  	_ =	shalt  }
0x4c: {  	_ =	shalt  }
0x4d: {  	_ =	shalt  }
0x4e: {  	_ =	shalt  }
0x4f: {  	_ =	shalt  }
0x50: {  	_ =	shalt  }
0x51: {  	_ =	shalt  }
0x52: {  	_ =	shalt  }
0x53: {  	_ =	shalt  }
0x54: {  	_ =	shalt  }
0x55: {  	_ =	shalt  }
0x56: {  	_ =	shalt  }
0x57: {  	_ =	shalt  }
0x58: {  	_ =	shalt  }
0x59: {  	_ =	shalt  }
0x5a: {  	_ =	shalt  }
0x5b: {  	_ =	shalt  }
0x5c: {  	_ =	shalt  }
0x5d: {  	_ =	shalt  }
0x5e: {  	_ =	shalt  }
0x5f: {  	_ =	shalt  }
0x60: {  	_ =	shalt  }
0x61: {  	_ =	shalt  }
0x62: {  	_ =	shalt  }
0x63: {  	_ =	shalt  }
0x64: {  	_ =	shalt  }
0x65: {  	_ =	shalt  }
0x66: {  	_ =	shalt  }
0x67: {  	_ =	shalt  }
0x68: {  	_ =	shalt  }
0x69: {  	_ =	shalt  }
0x6a: {  	_ =	shalt  }
0x6b: {  	_ =	shalt  }
0x6c: {  	_ =	shalt  }
0x6d: {  	_ =	shalt  }
0x6e: {  	_ =	shalt  }
0x6f: {  	_ =	shalt  }
0x70: {  	_ =	shalt  }
0x71: {  	_ =	shalt  }
0x72: {  	_ =	shalt  }
0x73: {  	_ =	shalt  }
0x74: {  	_ =	shalt  }
0x75: {  	_ =	shalt  }
0x76: {  	_ =	shalt  }
0x77: {  	_ =	shalt  }
0x78: {  	_ =	shalt  }
0x79: {  	_ =	shalt  }
0x7a: {  	_ =	shalt  }
0x7b: {  	_ =	shalt  }
0x7c: {  	_ =	shalt  }
0x7d: {  	_ =	shalt  }
0x7e: {  	_ =	shalt  }
0x7f: {  	_ =	shalt  }
0x80: {  	_ =	shalt  }
0x81: {  	_ =	shalt  }
0x82: {  	_ =	shalt  }
0x83: {  	_ =	shalt  }
0x84: {  	_ =	shalt  }
0x85: {  	_ =	shalt  }
0x86: {  	_ =	shalt  }
0x87: {  	_ =	shalt  }
.Lfunc_end0:
.L_simem_size_0:
called_computation.1_lowered:
.L_overlay_start_0:
0x88: {  	s2 =	sld [smem:$0x3FD9]  }
0x89: {  	s3 =	sld [smem:$0x3FFE];
	_ =	sdelay $0x1  }
0x8a: {  	s1 =	srdreg.scid  }
0x8b: {  	s0 =	sand.u32 $0x1, s1  }
0x8c: {  	s17 =	sshll.u32 s0, $0xA;
	s2 =	sadd.s32 s3, s2  }
0x8d: {  	s2 =	sadd.s32 s2, s17  }
0x8e: {  	[smem:$0x3FBA] =	sst s2  }
0x8f: {  	_ = 	snop  }
0x90: {  	s2 =	sld [smem:$0x3FD0];
	(tm) =	ssettm $0x1  }
0x91: {  	s18 =	sld [smem:$0x3FFB];
	_ =	sdelay $0x3  }
0x92: {  	_ =	strace s18  }
0x93: {  	s3 =	sld [smem:$0x3FFC];
	_ =	sdelay $0x3  }
0x94: {  	_ =	strace s3  }
0x95: {  	s3 =	sld [smem:$0x3FFD];
	_ =	sdelay $0x3  }
0x96: {  	_ =	strace s3  }
0x97: {  	_ =	strace $0x8FFFFFFF  }
0x98: {  	s19 =	sld [smem:$0x3FDB];
	_ =	sdelay $0x1  }
0x99: {  	s4 =	simm.s32 $_scs_section_size  }
0x9a: {  	s5 =	simm.s32 $_size__tile_overlayer_lowered;
	s6 =	simm.s32 $_tile_overlayer_lowered  }
0x9b: {  	s22 =	simm.s32 $0x1BFF;
	s21 =	sshll.u32 s6, $0x1;
	s3 =	sadd.s32 s4, s19  }
0x9c: {  	s7 =	simm.s32 $0x0;
	s20 =	sshll.u32 s5, $0x1;
	s5 =	sadd.s32 s21, s3  }
0x9d: {  	[timem:s7], [sflag:s22] =	dma.local [hbm:s5], s20  }
0x9e: {  	_ =	swait.ge [sflag:s22], s20  }
0x9f: {  	s4 =	ssub.s32 $0x0, s20;
	[sflag:s22] =	ssyncset.done $0x0  }
0xa0: {  	[sflag:s22] =	ssyncadd.s32 s4;
	_ =	sdelay $0x1  }
0xa1: {  	s23 =	simm.s32 $0x1B8B  }
0xa2: {  	_ =	swait.ge [sflag:s23], $0x1  }
0xa3: {  	[sflag:s23] =	ssyncset.done $0x0  }
0xa4: {  	s25 =	simm.s32 $0x1B8E;
	s24 =	sld [smem:$0x3FFE];
	[sflag:s23] =	ssyncadd.s32 $0xFFFFFFFF  }
0xa5: {  	s26 =	simm.s32 $execute0_lowered;
	[smem:$0x3FD2] =	sst s25  }
0xa6: {  	s5 =	sshll.u32 s26, $0x1;
	_ =	strace $0x80000049;
	[dreg:$0x1] =	wrdreg $0xFFFFFFFF  }
0xa7: {  	s28 =	simm.s32 $_size_execute0_lowered;
	s3 =	sadd.s32 s3, s5;
	[dreg:$0x0] =	wrdreg $0x0  }
0xa8: {  	s5 =	sshll.u32 s28, $0x1;
	[dreg:$0x2] =	wrdreg s3  }
0xa9: {  	[dreg:$0x3] =	wrdreg s5  }
0xaa: {  	[dreg:$0x4] =	wrdreg $0xC0  }
0xab: {  	_ =	task [dreg:s7], $0x5FFFF  }
0xac: {  	[dreg:$0x1] =	wrdreg $0xFFFFFFFF  }
0xad: {  	[dreg:$0x0] =	wrdreg $0x60  }
0xae: {  	[dreg:$0x2] =	wrdreg s24  }
0xaf: {  	[dreg:$0x3] =	wrdreg s2  }
0xb0: {  	[dreg:$0x4] =	wrdreg $0xA4000  }
0xb1: {  	[dreg:$0x5] =	wrdreg $0x9  }
0xb2: {  	_ =	task.clear_ibuf [dreg:s7], $0x6FFFF;
	_ =	strace $0x90000049  }
0xb3: {  	s29 =	simm.s32 $0x9;
	_ =	strace $0x8000004B  }
0xb4: {  	_ =	swait.ge [sflag:s29], $0x1  }
0xb5: {  	[sflag:s29] =	ssyncadd.s32 $0xFFFFFFFF  }
0xb6: {  	_ =	strace $0x9000004B  }
0xb7: {  	_ =	sfence  }
0xb8: {  	s30 =	sld [smem:$0x0];
	_ =	sdelay $0x2  }
0xb9: {  	s31 =	sshll.u32 s1, $0xD;
	s1 =	sshrl.u32 s1, $0x2  }
0xba: {  	s3 =	sand.u32 $0x4000, s31;
	s1 =	sadd.s32 s1, s30  }
0xbb: {  	s0 =	sor.u32 s3, s0;
	s1 =	sshll.u32 s1, $0x11  }
0xbc: {  	s0 =	sor.u32 s1, s0  }
0xbd: {  	s0 =	sadd.s32 $0x8F2B, s0  }
0xbe: {  	[sflag:s0] =	ssyncadd.remote.s32 $0x1  }
0xbf: {  	_ =	sfence.sel $0xFFFF  }
0xc0: {  	[dreg:$0x0] =	wrdreg $0xFFFFFFFF;
	(pc) =	sbr.abs _section_cstart, $3  }
0xc1: {  	[dreg:$0x1] =	wrdreg $0xFFFFFFFF  }
0xc2: {  	_ =	task.clear_ibuf [dreg:s7], $0x2FFFF;
	_ =	strace $0x9FFFFFFF  }
0xc3: {  	(tm) =	ssettm $0x7FFFFFFF  }
tec
execute0_lowered:
.L_overlay_start_1:
0x0: {  	(tag) =	ssettag $0x1  }
0x1: {  	s5 =	rddreg [dreg:$0x0];
	s1 =	srdreg.scid  }
0x2: {  	s0 =	stileid.u32;
	s9 =	rddreg [dreg:$0x1]  }
0x3: {  	s2 =	rddreg [dreg:$0x2];
	s3 =	simm.s32 $0x0;
	s14 =	simm.s32 $0x80  }
0x4: {  	s15 =	simm.s32 $0x6400;
	s16 =	simm.s32 $0x8400;
	s17 =	simm.s32 $0x1  }
0x5: {  	s18 =	simm.s32 $0x2;
	s11 =	sand.u32 $0x1, s1;
	s1 =	rddreg [dreg:$0x3]  }
0x6: {  	s19 =	simm.s32 $0x0;
	s28 =	sshll.u32 s0, $0x1;
	[smem:$0x7FF] =	sst s3  }
0x7: {  	s7 =	smul.u32 $0x9E00, s0;
	s31 =	sshll.u32 s0, $0x6;
	s4 =	sor.u32 s11, s28  }
0x8: {  	_ =	strace $0x8000004A;
	s10 =	ssub.s32 $0x2, s11;
	s12 =	smul.u32 $0x9E000, s11  }
0x9: {  	p0 =	sne.s32 s11, $0x0;
	s6 =	smul.u32 $0x640, s4;
	s4 =	sadd.s32 $0x1C000, s5  }
0xa: {  	s29 =	sshrl.u32 s7, $0x3;
	s30 =	sshrl.u32 s10, $0x1;
	s13 =	sadd.s32 s7, s2  }
.Ltmp0:
0xb: {  	s10 =	ssub.s32 s10, s30;
	s12 =	sadd.s32 s7, s12;
	(pc) =	sbr.rel .LBB2_1-.Ltmp0, $4  }
0xc: {  	s11 =	sshrl.u32 s13, $0x3;
	s13 =	simm.s32 $0x3200;
	s8 =	sadd.s32 s6, s5  }
0xd: {  	s5 =	sadd.s32 s29, s5;
	s6 =	sor.u32 $0x1C03, s31;
	s12 =	sshrl.u32 s12, $0x3  }
0xe: {  	s10 =	smax.u32 s10, $0x1;
	s5 =	sadd.s32 $0x2FA00, s5;
	s7 =	sadd.s32 $0xF800, s8  }
0xf: {  	s8 =	sadd.s32 $0x3000, s8;
	s9 =	sadd.s32 s9, s12;
	s12 =	simm.s32 $0x3  }
.LBB2_5:
0x10: {  	s21 =	sadd.s32 $0x80, s20;
	[sflag:s12] =	ssyncadd.s32 @p1 $0xFFFFE000  }
0x11: {  	[tilespmem:s16], [sflag:$0x2] =	stream.indirect.gather [hbm4b:s4+s14], $0x40, s21, s14, $0xb8;
	[tilespmem:$0x14200] =	vst v63  }
0x12: {  	_ =	swait.ge [sflag:s17], $0x2000  }
0x13: {  	[sflag:s17] =	ssyncset.done $0x0  }
0x14: {  	s29 =	sadd.s32 $0x3200, s20;
	[sflag:s17] =	ssyncadd.s32 $0xFFFFE000  }
0x15: {  	[spmem:s2] =	stream.indirect.scatter.add.f32 [tilespmem:s15], [sflag:$0x3], $0x40, s29, s14, $0xb8;
	[tilespmem:$0x14200] =	vst v63  }
0x16: {  	_ =	swait.ge [sflag:s12], $0x2000  }
0x17: {  	[sflag:s12] =	ssyncset.done $0x0  }
0x18: {  	s30 =	sadd.s32 $0x100, s20;
	[sflag:s12] =	ssyncadd.s32 $0xFFFFE000  }
0x19: {  	[tilespmem:s15], [sflag:$0x1] =	stream.indirect.gather [hbm4b:s4+s14], $0x40, s30, s14, $0xb8;
	[tilespmem:$0x14200] =	vst v63  }
0x1a: {  	_ =	swait.ge [sflag:s18], $0x2000  }
0x1b: {  	[sflag:s18] =	ssyncset.done $0x0  }
0x1c: {  	s31 =	sadd.s32 $0x3280, s20;
	[sflag:s18] =	ssyncadd.s32 $0xFFFFE000  }
0x1d: {  	[spmem:s2] =	stream.indirect.scatter.add.f32 [tilespmem:s16], [sflag:$0x3], $0x40, s31, s14, $0xb8;
	[tilespmem:$0x14200] =	vst v63  }
0x1e: {  	_ =	swait.ge [sflag:s12], $0x2000  }
0x1f: {  	s20 =	simm.s32 $0x4E80;
	[sflag:s12] =	ssyncset.done $0x0  }
0x20: {  	s22 =	simm.s32 $0x1C80;
	s21 =	simm.s32 $0x4E00;
	[sflag:s12] =	ssyncadd.s32 $0xFFFFE000  }
.LBB2_9:
0x21: {  	[tilespmem:s16], [sflag:$0x2] =	stream.indirect.gather [hbm4b:s4+s14], $0x40, s22, s14, $0xb8;
	[tilespmem:$0x14200] =	vst v63  }
0x22: {  	_ =	swait.ge [sflag:s17], $0x2000  }
0x23: {  	[sflag:s17] =	ssyncset.done $0x0  }
0x24: {  	[sflag:s17] =	ssyncadd.s32 $0xFFFFE000  }
0x25: {  	[spmem:s2] =	stream.indirect.scatter.add.f32 [tilespmem:s15], [sflag:$0x3], $0x40, s21, s14, $0xb8;
	[tilespmem:$0x14200] =	vst v63  }
0x26: {  	_ =	swait.ge [sflag:s12], $0x2000  }
0x27: {  	[sflag:s12] =	ssyncset.done $0x0  }
0x28: {  	[sflag:s12] =	ssyncadd.s32 $0xFFFFE000  }
0x29: {  	_ =	swait.ge [sflag:s18], $0x2000  }
0x2a: {  	[sflag:s18] =	ssyncset.done $0x0  }
0x2b: {  	[sflag:s18] =	ssyncadd.s32 $0xFFFFE000  }
0x2c: {  	[spmem:s2] =	stream.indirect.scatter.add.f32 [tilespmem:s16], [sflag:$0x3], $0x40, s20, s14, $0xb8;
	[tilespmem:$0x14200] =	vst v63  }
0x2d: {  	_ =	swait.ge [sflag:s12], $0x2000  }
0x2e: {  	s19 =	sadd.s32 $0x1, s19;
	[sflag:s12] =	ssyncset.done $0x0  }
0x2f: {  	p1 =	sne.s32 s19, s10;
	[sflag:s12] =	ssyncadd.s32 $0xFFFFE000  }
.Ltmp1:
0x30: {  	[bflag:$0x0] =	sbarrier.arrive $0xFFFF;
	(pc) =	sbr.rel @!p1 .LBB2_10-.Ltmp1, $4  }
0x31: {  	[hbm:s9], [sflag:s6] =	dma.local [spmem:s11], $0x13C0  }
0x32: {  	_ =	swait.ge [sflag:s12], $0x13C0  }
0x33: {  	[sflag:s12] =	ssyncset.done $0x0  }
0x34: {  	[sflag:s12] =	ssyncadd.s32 $0xFFFFEC40  }
.LBB2_1:
0x35: {  	[spmem:s11], [sflag:s6] =	dma.local [hbm:s5], $0x13C0  }
0x36: {  	_ =	swait.ge [sflag:s12], $0x13C0  }
0x37: {  	[sflag:s12] =	ssyncset.done $0x0  }
0x38: {  	[sflag:s12] =	ssyncadd.s32 $0xFFFFEC40  }
0x39: {  	[tilespmem:s3], [sflag:$0x3] =	stream.linear.gather [hbm4b:s7+s3], $0x3200, $0x38;
	[tilespmem:$0x14200] =	vst v63  }
0x3a: {  	_ =	swait.ge [sflag:s12], $0x3200  }
0x3b: {  	[sflag:s12] =	ssyncset.done $0x0  }
0x3c: {  	[sflag:s12] =	ssyncadd.s32 $0xFFFFCE00  }
0x3d: {  	[tilespmem:s13], [sflag:$0x3] =	stream.linear.gather [hbm4b:s8+s3], $0x3200, $0x38;
	[tilespmem:$0x14200] =	vst v63  }
.Ltmp2:
0x3e: {  	_ =	swait.ge [sflag:s12], $0x3200;
	(pc) =	sbr.rel @p0 .LBB2_6-.Ltmp2, $4  }
0x3f: {  	[sflag:s12] =	ssyncset.done $0x0  }
0x40: {  	[sflag:s12] =	ssyncadd.s32 $0xFFFFCE00  }
0x41: {  	[bflag:$0x0] =	sbarrier.arrive $0xFFFF  }
0x42: {  	[tilespmem:s15], [sflag:$0x1] =	stream.indirect.gather [hbm4b:s4+s14], $0x40, s3, s14, $0xb8;
	[tilespmem:$0x14200] =	vst v63  }
0x43: {  	p2 =	por $0x0, $0x0  }
.Ltmp3:
0x44: {  	_ = 	snop;
	(pc) =	sbr.rel @p2 .LBB2_5-.Ltmp3, $2  }
0x45: {  	_ =	sdelay $0x2  }
0x46: {  	s20 =	simm.s32 $0x0;
	p1 =	por $0x0, $0x0  }
0x47: {  	s20 =	simm.s32 $0x80  }
0x48: {  	[tilespmem:s16], [sflag:$0x2] =	stream.indirect.gather [hbm4b:s4+s14], $0x40, s20, s14, $0xb8;
	[tilespmem:$0x14200] =	vst v63  }
0x49: {  	_ =	swait.ge [sflag:s17], $0x2000  }
0x4a: {  	[sflag:s17] =	ssyncset.done $0x0  }
0x4b: {  	s29 =	simm.s32 $0x3200;
	[sflag:s17] =	ssyncadd.s32 $0xFFFFE000  }
0x4c: {  	[spmem:s2] =	stream.indirect.scatter.add.f32 [tilespmem:s15], [sflag:$0x3], $0x40, s29, s14, $0xb8;
	[tilespmem:$0x14200] =	vst v63  }
0x4d: {  	_ =	swait.ge [sflag:s12], $0x2000  }
0x4e: {  	[sflag:s12] =	ssyncset.done $0x0  }
0x4f: {  	s30 =	simm.s32 $0x100;
	[sflag:s12] =	ssyncadd.s32 $0xFFFFE000  }
0x50: {  	[tilespmem:s15], [sflag:$0x1] =	stream.indirect.gather [hbm4b:s4+s14], $0x40, s30, s14, $0xb8;
	[tilespmem:$0x14200] =	vst v63  }
0x51: {  	p2 =	por $0x0, $0x0;
	_ =	swait.ge [sflag:s18], $0x2000  }
.Ltmp4:
0x52: {  	[sflag:s18] =	ssyncset.done $0x0;
	(pc) =	sbr.rel @p2 .LBB2_5-.Ltmp4, $4  }
0x53: {  	s31 =	simm.s32 $0x3280;
	[sflag:s18] =	ssyncadd.s32 $0xFFFFE000  }
0x54: {  	[spmem:s2] =	stream.indirect.scatter.add.f32 [tilespmem:s16], [sflag:$0x3], $0x40, s31, s14, $0xb8;
	[tilespmem:$0x14200] =	vst v63  }
0x55: {  	s21 =	simm.s32 $0x800;
	_ =	swait.ge [sflag:s12], $0x2000  }
0x56: {  	p1 =	por $0x1, $0x1;
	s20 =	simm.s32 $0x100;
	[sflag:s12] =	ssyncset.done $0x0  }
.LBB2_4:
0x57: {  	s22 =	sadd.s32 $0x80, s20  }
0x58: {  	[sflag:s12] =	ssyncadd.s32 $0xFFFFE000;
	s23 =	smov.u32 s21;
	s24 =	sadd.s32 $0x400, s21  }
0x59: {  	[tilespmem:s16], [sflag:$0x2] =	stream.indirect.gather [hbm4b:s4+s14], $0x40, s22, s14, $0xb8;
	[tilespmem:$0x14200] =	vst v63  }
0x5a: {  	p2 =	seq.s32 s21, $0x6C00;
	_ =	swait.ge [sflag:s17], $0x2000  }
0x5b: {  	[sflag:s17] =	ssyncset.done $0x0  }
0x5c: {  	s21 =	sadd.s32 $0x3200, s20;
	[sflag:s17] =	ssyncadd.s32 $0xFFFFE000  }
0x5d: {  	[spmem:s2] =	stream.indirect.scatter.add.f32 [tilespmem:s15], [sflag:$0x3], $0x40, s21, s14, $0xb8;
	[tilespmem:$0x14200] =	vst v63  }
0x5e: {  	_ =	swait.ge [sflag:s12], $0x2000  }
0x5f: {  	[sflag:s12] =	ssyncset.done $0x0  }
0x60: {  	s21 =	sadd.s32 $0x100, s20;
	[sflag:s12] =	ssyncadd.s32 $0xFFFFE000  }
0x61: {  	[tilespmem:s15], [sflag:$0x1] =	stream.indirect.gather [hbm4b:s4+s14], $0x40, s21, s14, $0xb8;
	[tilespmem:$0x14200] =	vst v63  }
0x62: {  	_ =	swait.ge [sflag:s18], $0x2000  }
.Ltmp5:
0x63: {  	[sflag:s18] =	ssyncset.done $0x0;
	(pc) =	sbr.rel @!p2 .LBB2_4-.Ltmp5, $4  }
0x64: {  	s20 =	sadd.s32 $0x3280, s20;
	[sflag:s18] =	ssyncadd.s32 $0xFFFFE000  }
0x65: {  	[spmem:s2] =	stream.indirect.scatter.add.f32 [tilespmem:s16], [sflag:$0x3], $0x40, s20, s14, $0xb8;
	[tilespmem:$0x14200] =	vst v63  }
0x66: {  	_ =	swait.ge [sflag:s12], $0x2000  }
0x67: {  	s21 =	smov.u32 s24;
	s20 =	sshra.s32 s23, $0x2;
	[sflag:s12] =	ssyncset.done $0x0  }
.Ltmp6:
0x68: {  	_ = 	snop;
	(pc) =	sbr.rel .LBB2_5-.Ltmp6, $1  }
0x69: {  	_ =	sdelay $0x3  }
.LBB2_6:
0x6a: {  	s20 =	simm.s32 $0x80  }
0x6b: {  	[tilespmem:s16], [sflag:$0x2] =	stream.indirect.gather [hbm4b:s4+s14], $0x40, s20, s14, $0xb8;
	[tilespmem:$0x14200] =	vst v63  }
0x6c: {  	_ =	swait.ge [sflag:s17], $0x2000  }
0x6d: {  	[sflag:s17] =	ssyncset.done $0x0  }
0x6e: {  	s29 =	simm.s32 $0x3200;
	[sflag:s17] =	ssyncadd.s32 $0xFFFFE000  }
0x6f: {  	[spmem:s2] =	stream.indirect.scatter.add.f32 [tilespmem:s15], [sflag:$0x3], $0x40, s29, s14, $0xb8;
	[tilespmem:$0x14200] =	vst v63  }
0x70: {  	_ =	swait.ge [sflag:s12], $0x2000  }
0x71: {  	[sflag:s12] =	ssyncset.done $0x0  }
0x72: {  	s30 =	simm.s32 $0x100;
	[sflag:s12] =	ssyncadd.s32 $0xFFFFE000  }
0x73: {  	[tilespmem:s15], [sflag:$0x1] =	stream.indirect.gather [hbm4b:s4+s14], $0x40, s30, s14, $0xb8;
	[tilespmem:$0x14200] =	vst v63  }
0x74: {  	_ =	swait.ge [sflag:s18], $0x2000  }
0x75: {  	[sflag:s18] =	ssyncset.done $0x0  }
0x76: {  	s31 =	simm.s32 $0x3280;
	[sflag:s18] =	ssyncadd.s32 $0xFFFFE000  }
0x77: {  	[spmem:s2] =	stream.indirect.scatter.add.f32 [tilespmem:s16], [sflag:$0x3], $0x40, s31, s14, $0xb8;
	[tilespmem:$0x14200] =	vst v63  }
0x78: {  	_ =	swait.ge [sflag:s12], $0x2000  }
0x79: {  	s21 =	simm.s32 $0x800;
	s20 =	simm.s32 $0x100;
	[sflag:s12] =	ssyncset.done $0x0  }
.LBB2_7:
0x7a: {  	s22 =	sadd.s32 $0x80, s20  }
0x7b: {  	[sflag:s12] =	ssyncadd.s32 $0xFFFFE000;
	s23 =	smov.u32 s21;
	s24 =	sadd.s32 $0x400, s21  }
0x7c: {  	[tilespmem:s16], [sflag:$0x2] =	stream.indirect.gather [hbm4b:s4+s14], $0x40, s22, s14, $0xb8;
	[tilespmem:$0x14200] =	vst v63  }
0x7d: {  	p1 =	sne.s32 s21, $0xC000;
	_ =	swait.ge [sflag:s17], $0x2000  }
0x7e: {  	[sflag:s17] =	ssyncset.done $0x0  }
0x7f: {  	s21 =	sadd.s32 $0x3200, s20;
	[sflag:s17] =	ssyncadd.s32 $0xFFFFE000  }
0x80: {  	[spmem:s2] =	stream.indirect.scatter.add.f32 [tilespmem:s15], [sflag:$0x3], $0x40, s21, s14, $0xb8;
	[tilespmem:$0x14200] =	vst v63  }
0x81: {  	_ =	swait.ge [sflag:s12], $0x2000  }
0x82: {  	[sflag:s12] =	ssyncset.done $0x0  }
0x83: {  	s21 =	sadd.s32 $0x100, s20;
	[sflag:s12] =	ssyncadd.s32 $0xFFFFE000  }
0x84: {  	[tilespmem:s15], [sflag:$0x1] =	stream.indirect.gather [hbm4b:s4+s14], $0x40, s21, s14, $0xb8;
	[tilespmem:$0x14200] =	vst v63  }
0x85: {  	_ =	swait.ge [sflag:s18], $0x2000  }
.Ltmp7:
0x86: {  	[sflag:s18] =	ssyncset.done $0x0;
	(pc) =	sbr.rel @p1 .LBB2_7-.Ltmp7, $4  }
0x87: {  	s20 =	sadd.s32 $0x3280, s20;
	[sflag:s18] =	ssyncadd.s32 $0xFFFFE000  }
0x88: {  	[spmem:s2] =	stream.indirect.scatter.add.f32 [tilespmem:s16], [sflag:$0x3], $0x40, s20, s14, $0xb8;
	[tilespmem:$0x14200] =	vst v63  }
0x89: {  	_ =	swait.ge [sflag:s12], $0x2000  }
0x8a: {  	s21 =	smov.u32 s24;
	s20 =	sshra.s32 s23, $0x2;
	[sflag:s12] =	ssyncset.done $0x0  }
0x8b: {  	s21 =	sadd.s32 $0x80, s20;
	[sflag:s12] =	ssyncadd.s32 $0xFFFFE000  }
0x8c: {  	[tilespmem:s16], [sflag:$0x2] =	stream.indirect.gather [hbm4b:s4+s14], $0x40, s21, s14, $0xb8;
	[tilespmem:$0x14200] =	vst v63  }
0x8d: {  	_ =	swait.ge [sflag:s17], $0x2000  }
0x8e: {  	[sflag:s17] =	ssyncset.done $0x0  }
0x8f: {  	s29 =	sadd.s32 $0x3200, s20;
	[sflag:s17] =	ssyncadd.s32 $0xFFFFE000  }
0x90: {  	[spmem:s2] =	stream.indirect.scatter.add.f32 [tilespmem:s15], [sflag:$0x3], $0x40, s29, s14, $0xb8;
	[tilespmem:$0x14200] =	vst v63  }
0x91: {  	_ =	swait.ge [sflag:s12], $0x2000  }
0x92: {  	[sflag:s12] =	ssyncset.done $0x0  }
0x93: {  	s30 =	sadd.s32 $0x100, s20;
	[sflag:s12] =	ssyncadd.s32 $0xFFFFE000  }
0x94: {  	[tilespmem:s15], [sflag:$0x1] =	stream.indirect.gather [hbm4b:s4+s14], $0x40, s30, s14, $0xb8;
	[tilespmem:$0x14200] =	vst v63  }
0x95: {  	_ =	swait.ge [sflag:s18], $0x2000  }
0x96: {  	[sflag:s18] =	ssyncset.done $0x0  }
.Ltmp8:
0x97: {  	s31 =	sadd.s32 $0x3280, s20;
	[sflag:s18] =	ssyncadd.s32 $0xFFFFE000;
	(pc) =	sbr.rel .LBB2_9-.Ltmp8, $4  }
0x98: {  	[spmem:s2] =	stream.indirect.scatter.add.f32 [tilespmem:s16], [sflag:$0x3], $0x40, s31, s14, $0xb8;
	[tilespmem:$0x14200] =	vst v63  }
0x99: {  	_ =	swait.ge [sflag:s12], $0x2000  }
0x9a: {  	s20 =	simm.s32 $0x6380;
	[sflag:s12] =	ssyncset.done $0x0  }
0x9b: {  	s22 =	simm.s32 $0x3180;
	s21 =	simm.s32 $0x6300;
	[sflag:s12] =	ssyncadd.s32 $0xFFFFE000  }
.LBB2_10:
0x9c: {  	_ =	sfence.sel $0x180000  }
0x9d: {  	[bflag:$0x0] =	sbarrier.arrive $0xFFFF  }
0x9e: {  	p0 =	sne.s32 s0, $0x0;
	_ =	strace $0x9000004A  }
0x9f: {  	s0 =	sadd.s32 @!p0 $0x100000, s1;
	[bflag:$0x2] =	sbarrier.arrive $0xFFFF  }
0xa0: {  	[sflag:s0] =	ssyncadd.tile.s32 @!p0 $0x1;
	_ =	shalt  }
.Lfunc_end2:
_tile_overlayer_lowered:
.L_overlay_start_2:
0xa1: {  	(tag) =	ssettag $0x2  }
0xa2: {  	s0 =	rddreg [dreg:$0x0];
	s2 =	stileid.u32  }
0xa3: {  	s1 =	rddreg [dreg:$0x1];
	p0 =	sne.s32 s2, $0x0  }
0xa4: {  	s3 =	rddreg [dreg:$0x2];
	[bflag:$0x3] =	sbarrier.arrive $0xFFFF;
	s2 =	simm.s32 @!p0 $0x1C03  }
0xa5: {  	[timem:s3], [sflag:s2] =	dma.local @!p0 [hbm:s0], s1  }
0xa6: {  	s0 =	simm.s32 @!p0 $0x3  }
0xa7: {  	_ =	swait.ge @!p0 [sflag:s0], s1  }
0xa8: {  	s1 =	ssub.s32 @!p0 $0x0, s1;
	[sflag:s0] =	ssyncset.done @!p0 $0x0  }
0xa9: {  	[sflag:s0] =	ssyncadd.s32 @!p0 s1  }
0xaa: {  	[bflag:$0x3] =	sbarrier.arrive $0xFFFF  }
0xab: {  	_ =	shalt  }

// kernel: kernel.15.cloned.1.call-start
scs
__scs_entry_jumppad:
0x0: {  	(pc) =	sbr.rel $0x88, $3  }
0x1: {  	(tag) =	ssettag $0x0;
	lr =	simm.s32 $0x1  }
0x2: {  	[smem:$0x3F93] =	sst lr;
	_ =	strace $0xD0000000  }
0x3: {  	_ = 	snop  }
0x4: {  	_ = 	snop  }
0x5: {  	_ = 	snop  }
0x6: {  	_ = 	snop  }
0x7: {  	_ = 	snop  }
__scs_overlays_trampoline_lowered:
0x8: {  	[smem:$0x3FA2] =	sst s0  }
0x9: {  	[smem:$0x3FA3] =	sst s1  }
0xa: {  	[smem:$0x3FA4] =	sst s2  }
0xb: {  	[smem:$0x3FA5] =	sst s3  }
0xc: {  	[smem:$0x3FA6] =	sst s4  }
0xd: {  	[smem:$0x3FA7] =	sst s5  }
0xe: {  	[smem:$0x3FA8] =	sst s6  }
0xf: {  	[smem:$0x3FA9] =	sst s7  }
0x10: {  	[smem:$0x3FAA] =	sst s8  }
0x11: {  	[smem:$0x3FAB] =	sst s9;
	s0 =	simm.s32 @!p0 $0x0  }
0x12: {  	s1 =	sld [smem:$0x3F91];
	s0 =	simm.s32 @p0 $0x1  }
0x13: {  	[smem:$0x3FAC] =	sst s0;
	s0 =	simm.s32 @!p1 $0x0  }
0x14: {  	s2 =	sld [smem:$0x3F90];
	s0 =	simm.s32 @p1 $0x1  }
0x15: {  	[smem:$0x3FAD] =	sst s0;
	s0 =	simm.s32 @!p2 $0x0  }
0x16: {  	s3 =	sld [smem:$0x3FDB];
	s0 =	simm.s32 @p2 $0x1  }
0x17: {  	s4 =	simm.s32 $0x1BF5;
	[smem:$0x3FAF] =	sst s0  }
0x18: {  	s0 =	sld [smem:$0x3F92];
	_ =	swait.ge [sflag:s4], $0x0  }
0x19: {  	s7 =	sld [smem:$0x3F93]  }
0x1a: {  	s8 =	sadd.s32 $0xFFFFE003, lr  }
0x1b: {  	s9 =	sadd.s32 $0xFFFFFEF7, lr;
	s5 =	simm.s32 $0xFFFFFFFF;
	p2 =	slt.u32 s8, $0xFFFFF086  }
0x1c: {  	p1 =	slt.u32 s9, $0xF7A;
	s5 =	simm.s32 @!p2 $0x0  }
0x1d: {  	s5 =	simm.s32 @p1 $0x1;
	p0 =	seq.s32 s7, s2  }
0x1e: {  	s7 =	smul.u32 @!p0 $0xF7A, s2;
	p2 =	seq.s32 @!p0 s5, $0x0  }
0x1f: {  	s9 =	smul.u32 $0xF7A, s1;
	s8 =	simm.s32 @!p0 $0x1BF5;
	p2 =	por !p2, p0  }
0x20: {  	[sflag:s8] =	ssyncset.s32 @!p0 $0xFFFFF086;
	s6 =	sadd.s32 @!p0 s3, s7;
	s7 =	simm.s32 @!p0 $0x108  }
0x21: {  	s3 =	sadd.s32 s3, s9;
	s6 =	sadd.s32 @!p0 $0x88, s6;
	s7 =	simm.s32 @p2 $0x1082  }
0x22: {  	[simem:s7], [sflag:s8] =	dma.local @!p0 [hbm:s6], $0xF7A  }
0x23: {  	s9 =	sor.u32 $0xD0000000, s2;
	s6 =	simm.s32 $0x108;
	_ =	swait.ge @!p0 [sflag:s8], $0x0  }
0x24: {  	s3 =	sadd.s32 $0x88, s3;
	s6 =	simm.s32 @!p1 $0x1082;
	[sflag:s4] =	ssyncset.s32 $0xFFFFF086  }
0x25: {  	[simem:s6], [sflag:s4] =	dma.local [hbm:s3], $0xF7A  }
0x26: {  	[smem:$0x3F93] =	sst s1;
	(tag) =	ssettag s2;
	_ =	strace s9  }
0x27: {  	s1 =	sld [smem:$0x3FA3]  }
0x28: {  	s2 =	sld [smem:$0x3FA4]  }
0x29: {  	s4 =	sld [smem:$0x3FA6]  }
0x2a: {  	p0 =	seq.s32 s5, $0x0;
	s5 =	sld [smem:$0x3FA7]  }
0x2b: {  	s6 =	sld [smem:$0x3FA8]  }
0x2c: {  	s7 =	sld [smem:$0x3FA9]  }
0x2d: {  	s3 =	simm.s32 $0x108;
	s8 =	sld [smem:$0x3FAA]  }
0x2e: {  	s3 =	simm.s32 @!p0 $0x1082;
	s9 =	sld [smem:$0x3FAB]  }
0x2f: {  	lr =	sadd.s32 s0, s3;
	s0 =	sld [smem:$0x3FA2]  }
0x30: {  	s3 =	sld [smem:$0x3FA5]  }
0x31: {  	[smem:$0x3FAE] =	sst s10  }
0x32: {  	s10 =	sld [smem:$0x3FAC];
	_ =	sdelay $0x3  }
0x33: {  	p0 =	seq.s32 s10, $0x1;
	s10 =	sld [smem:$0x3FAE];
	_ =	sdelay $0x3  }
0x34: {  	[smem:$0x3FAE] =	sst s10  }
0x35: {  	s10 =	sld [smem:$0x3FAD];
	_ =	sdelay $0x3  }
0x36: {  	p1 =	seq.s32 s10, $0x1;
	s10 =	sld [smem:$0x3FAE];
	_ =	sdelay $0x3  }
0x37: {  	[smem:$0x3FAE] =	sst s10  }
0x38: {  	s10 =	sld [smem:$0x3FAF]  }
0x39: {  	_ = 	snop;
	(pc) =	sbr.ind lr, $3  }
0x3a: {  	_ = 	snop  }
0x3b: {  	_ = 	snop  }
0x3c: {  	p2 =	seq.s32 s10, $0x1;
	s10 =	sld [smem:$0x3FAE]  }
0x3d: {  	_ =	shalt  }
0x3e: {  	_ =	shalt  }
0x3f: {  	_ =	shalt  }
0x40: {  	_ =	shalt  }
0x41: {  	_ =	shalt  }
0x42: {  	_ =	shalt  }
0x43: {  	_ =	shalt  }
0x44: {  	_ =	shalt  }
0x45: {  	_ =	shalt  }
0x46: {  	_ =	shalt  }
0x47: {  	_ =	shalt  }
0x48: {  	_ =	shalt  }
0x49: {  	_ =	shalt  }
0x4a: {  	_ =	shalt  }
0x4b: {  	_ =	shalt  }
0x4c: {  	_ =	shalt  }
0x4d: {  	_ =	shalt  }
0x4e: {  	_ =	shalt  }
0x4f: {  	_ =	shalt  }
0x50: {  	_ =	shalt  }
0x51: {  	_ =	shalt  }
0x52: {  	_ =	shalt  }
0x53: {  	_ =	shalt  }
0x54: {  	_ =	shalt  }
0x55: {  	_ =	shalt  }
0x56: {  	_ =	shalt  }
0x57: {  	_ =	shalt  }
0x58: {  	_ =	shalt  }
0x59: {  	_ =	shalt  }
0x5a: {  	_ =	shalt  }
0x5b: {  	_ =	shalt  }
0x5c: {  	_ =	shalt  }
0x5d: {  	_ =	shalt  }
0x5e: {  	_ =	shalt  }
0x5f: {  	_ =	shalt  }
0x60: {  	_ =	shalt  }
0x61: {  	_ =	shalt  }
0x62: {  	_ =	shalt  }
0x63: {  	_ =	shalt  }
0x64: {  	_ =	shalt  }
0x65: {  	_ =	shalt  }
0x66: {  	_ =	shalt  }
0x67: {  	_ =	shalt  }
0x68: {  	_ =	shalt  }
0x69: {  	_ =	shalt  }
0x6a: {  	_ =	shalt  }
0x6b: {  	_ =	shalt  }
0x6c: {  	_ =	shalt  }
0x6d: {  	_ =	shalt  }
0x6e: {  	_ =	shalt  }
0x6f: {  	_ =	shalt  }
0x70: {  	_ =	shalt  }
0x71: {  	_ =	shalt  }
0x72: {  	_ =	shalt  }
0x73: {  	_ =	shalt  }
0x74: {  	_ =	shalt  }
0x75: {  	_ =	shalt  }
0x76: {  	_ =	shalt  }
0x77: {  	_ =	shalt  }
0x78: {  	_ =	shalt  }
0x79: {  	_ =	shalt  }
0x7a: {  	_ =	shalt  }
0x7b: {  	_ =	shalt  }
0x7c: {  	_ =	shalt  }
0x7d: {  	_ =	shalt  }
0x7e: {  	_ =	shalt  }
0x7f: {  	_ =	shalt  }
0x80: {  	_ =	shalt  }
0x81: {  	_ =	shalt  }
0x82: {  	_ =	shalt  }
0x83: {  	_ =	shalt  }
0x84: {  	_ =	shalt  }
0x85: {  	_ =	shalt  }
0x86: {  	_ =	shalt  }
0x87: {  	_ =	shalt  }
.Lfunc_end0:
.L_simem_size_0:
called_computation.2_lowered:
.L_overlay_start_0:
0x88: {  	s2 =	sld [smem:$0x3FD9]  }
0x89: {  	s3 =	sld [smem:$0x3FFE];
	_ =	sdelay $0x1  }
0x8a: {  	s1 =	srdreg.scid  }
0x8b: {  	s0 =	sand.u32 $0x1, s1  }
0x8c: {  	s17 =	sshll.u32 s0, $0xA;
	s2 =	sadd.s32 s3, s2  }
0x8d: {  	s2 =	sadd.s32 s2, s17  }
0x8e: {  	[smem:$0x3FBA] =	sst s2  }
0x8f: {  	_ = 	snop  }
0x90: {  	s2 =	sld [smem:$0x3FC9]  }
0x91: {  	s18 =	sld [smem:$0x3FD0];
	(tm) =	ssettm $0x1  }
0x92: {  	s4 =	sld [smem:$0x3FFB];
	_ =	sdelay $0x3  }
0x93: {  	_ =	strace s4  }
0x94: {  	s4 =	sld [smem:$0x3FFC];
	_ =	sdelay $0x3  }
0x95: {  	_ =	strace s4  }
0x96: {  	s4 =	sld [smem:$0x3FFD];
	_ =	sdelay $0x3  }
0x97: {  	_ =	strace s4  }
0x98: {  	_ =	strace $0x8FFFFFFF  }
0x99: {  	s19 =	sld [smem:$0x3FDB];
	_ =	sdelay $0x1  }
0x9a: {  	s5 =	simm.s32 $_scs_section_size  }
0x9b: {  	s6 =	simm.s32 $_size__tile_overlayer_lowered;
	s7 =	simm.s32 $_tile_overlayer_lowered  }
0x9c: {  	s22 =	simm.s32 $0x1BFF;
	s21 =	sshll.u32 s7, $0x1;
	s4 =	sadd.s32 s5, s19  }
0x9d: {  	s8 =	simm.s32 $0x0;
	s20 =	sshll.u32 s6, $0x1;
	s6 =	sadd.s32 s21, s4  }
0x9e: {  	[timem:s8], [sflag:s22] =	dma.local [hbm:s6], s20  }
0x9f: {  	_ =	swait.ge [sflag:s22], s20  }
0xa0: {  	s5 =	ssub.s32 $0x0, s20;
	[sflag:s22] =	ssyncset.done $0x0  }
0xa1: {  	[sflag:s22] =	ssyncadd.s32 s5;
	_ =	sdelay $0x1  }
0xa2: {  	s23 =	simm.s32 $0x1B8B  }
0xa3: {  	_ =	swait.ge [sflag:s23], $0x1  }
0xa4: {  	[sflag:s23] =	ssyncset.done $0x0  }
0xa5: {  	s25 =	simm.s32 $0x1B8E;
	s24 =	sld [smem:$0x3FFE];
	[sflag:s23] =	ssyncadd.s32 $0xFFFFFFFF  }
0xa6: {  	s26 =	simm.s32 $execute0_lowered;
	[smem:$0x3FD2] =	sst s25  }
0xa7: {  	s6 =	sshll.u32 s26, $0x1;
	_ =	strace $0x8000004C;
	[dreg:$0x1] =	wrdreg $0xFFFFFFFF  }
0xa8: {  	s28 =	simm.s32 $_size_execute0_lowered;
	s4 =	sadd.s32 s4, s6;
	[dreg:$0x0] =	wrdreg $0x0  }
0xa9: {  	s6 =	sshll.u32 s28, $0x1;
	[dreg:$0x2] =	wrdreg s4  }
0xaa: {  	[dreg:$0x3] =	wrdreg s6  }
0xab: {  	[dreg:$0x4] =	wrdreg $0xC0  }
0xac: {  	_ =	task [dreg:s8], $0x5FFFF  }
0xad: {  	[dreg:$0x1] =	wrdreg $0xFFFFFFFF  }
0xae: {  	[dreg:$0x0] =	wrdreg $0x60  }
0xaf: {  	[dreg:$0x2] =	wrdreg s18  }
0xb0: {  	[dreg:$0x3] =	wrdreg s24  }
0xb1: {  	[dreg:$0x4] =	wrdreg s2  }
0xb2: {  	[dreg:$0x5] =	wrdreg $0x9  }
0xb3: {  	_ =	task.clear_ibuf [dreg:s8], $0x6FFFF;
	_ =	strace $0x9000004C  }
0xb4: {  	s29 =	simm.s32 $0x9;
	_ =	strace $0x8000004E  }
0xb5: {  	_ =	swait.ge [sflag:s29], $0x1  }
0xb6: {  	[sflag:s29] =	ssyncadd.s32 $0xFFFFFFFF  }
0xb7: {  	_ =	strace $0x9000004E  }
0xb8: {  	_ =	sfence  }
0xb9: {  	s30 =	sld [smem:$0x0];
	_ =	sdelay $0x2  }
0xba: {  	s31 =	sshll.u32 s1, $0xD;
	s1 =	sshrl.u32 s1, $0x2  }
0xbb: {  	s3 =	sand.u32 $0x4000, s31;
	s1 =	sadd.s32 s1, s30  }
0xbc: {  	s0 =	sor.u32 s3, s0;
	s1 =	sshll.u32 s1, $0x11  }
0xbd: {  	s0 =	sor.u32 s1, s0  }
0xbe: {  	s0 =	sadd.s32 $0x8F2B, s0  }
0xbf: {  	[sflag:s0] =	ssyncadd.remote.s32 $0x1  }
0xc0: {  	_ =	sfence.sel $0xFFFF  }
0xc1: {  	[dreg:$0x0] =	wrdreg $0xFFFFFFFF;
	(pc) =	sbr.abs _section_cstart, $3  }
0xc2: {  	[dreg:$0x1] =	wrdreg $0xFFFFFFFF  }
0xc3: {  	_ =	task.clear_ibuf [dreg:s8], $0x2FFFF;
	_ =	strace $0x9FFFFFFF  }
0xc4: {  	(tm) =	ssettm $0x7FFFFFFF  }
0xc5: {  	_ =	shalt  }
tec
execute0_lowered:
.L_overlay_start_1:
0x0: {  	(tag) =	ssettag $0x1  }
0x1: {  	s1 =	rddreg [dreg:$0x0];
	s2 =	srdreg.scid  }
0x2: {  	s17 =	rddreg [dreg:$0x1];
	s0 =	stileid.u32;
	s16 =	sand.u32 $0x1, s2  }
0x3: {  	s4 =	rddreg [dreg:$0x2];
	s5 =	sshll.u32 s0, $0x8;
	s6 =	sshll.u32 s16, $0x7  }
0x4: {  	s3 =	simm.s32 $0x0;
	s2 =	rddreg [dreg:$0x3];
	s18 =	sor.u32 s6, s5  }
0x5: {  	[smem:$0x7FF] =	sst s3;
	s5 =	sshrl.u32 s18, $0x3  }
0x6: {  	_ =	strace $0x8000004D;
	s5 =	sadd.s32 s4, s5;
	s4 =	simm.s32 $0x2  }
0x7: {  	[tilespmem:s3], [sflag:$0x2] =	stream.linear.gather [hbm4b:s5+s3], $0x80, $0x38;
	[tilespmem:$0x6880] =	vst v63  }
0x8: {  	_ =	swait.ge [sflag:s4], $0x80  }
0x9: {  	[sflag:s4] =	ssyncset.done $0x0  }
0xa: {  	s6 =	simm.s32 $0x80;
	[sflag:s4] =	ssyncadd.s32 $0xFFFFFF80  }
0xb: {  	[tilespmem:s6], [sflag:$0x1] =	stream.indirect.gather [hbm4b:s1+s6], $0x40, s3, s6, $0xb8;
	[tilespmem:$0x6880] =	vst v63  }
0xc: {  	s8 =	simm.s32 $0x2080;
	s7 =	sadd.s32 $0x13C00, s1  }
0xd: {  	[tilespmem:s8], [sflag:$0x1] =	stream.indirect.gather [hbm4b:s7+s6], $0x40, s3, s6, $0xb8;
	[tilespmem:$0x6880] =	vst v63  }
0xe: {  	s10 =	simm.s32 $0x4080;
	s9 =	sadd.s32 $0x48800, s17  }
0xf: {  	[tilespmem:s10], [sflag:$0x1] =	stream.indirect.gather [hbm4b:s9+s6], $0x40, s3, s6, $0xb8;
	[tilespmem:$0x6880] =	vst v63  }
0x10: {  	s12 =	simm.s32 $0x6080;
	s13 =	simm.s32 $0x1;
	s11 =	sadd.s32 $0x5C200, s17  }
0x11: {  	[tilespmem:s12], [sflag:$0x1] =	stream.indirect.gather [hbm4b:s11+s6], $0x10, s3, s6, $0xb8;
	[tilespmem:$0x6880] =	vst v63  }
0x12: {  	_ =	swait.ge [sflag:s13], $0x2000  }
0x13: {  	[sflag:s13] =	ssyncset.done $0x0  }
0x14: {  	[sflag:s13] =	ssyncadd.s32 $0xFFFFE000  }
0x15: {  	_ =	swait.ge [sflag:s13], $0x2000  }
0x16: {  	[sflag:s13] =	ssyncset.done $0x0  }
0x17: {  	[sflag:s13] =	ssyncadd.s32 $0xFFFFE000  }
0x18: {  	_ =	swait.ge [sflag:s13], $0x2000  }
0x19: {  	[sflag:s13] =	ssyncset.done $0x0  }
0x1a: {  	[sflag:s13] =	ssyncadd.s32 $0xFFFFE000  }
0x1b: {  	s14 =	sshll.u32 s18, $0x3;
	_ =	swait.ge [sflag:s13], $0x800  }
0x1c: {  	s19 =	sadd.s32 s14, s17;
	[sflag:s13] =	ssyncset.done $0x0  }
0x1d: {  	s14 =	sadd.s32 $0x13000, s19;
	[sflag:s13] =	ssyncadd.s32 $0xFFFFF800  }
0x1e: {  	[hbm4b:s14+s3] =	stream.linear.scatter [tilespmem:s6], [sflag:$0x2], $0x2000, $0x38;
	[tilespmem:$0x6880] =	vst v63  }
0x1f: {  	_ =	swait.ge [sflag:s4], $0x2000  }
0x20: {  	[sflag:s4] =	ssyncset.done $0x0  }
0x21: {  	s20 =	ssub.s32 $0x2, s16;
	s15 =	sadd.s32 $0xB000, s19;
	[sflag:s4] =	ssyncadd.s32 $0xFFFFE000  }
0x22: {  	[hbm4b:s15+s3] =	stream.linear.scatter [tilespmem:s8], [sflag:$0x2], $0x2000, $0x38;
	[tilespmem:$0x6880] =	vst v63  }
0x23: {  	s30 =	sshrl.u32 s20, $0x1;
	s18 =	sshll.u32 s18, $0x1;
	_ =	swait.ge [sflag:s4], $0x2000  }
0x24: {  	s31 =	ssub.s32 s20, s30;
	s17 =	sadd.s32 s18, s17;
	[sflag:s4] =	ssyncset.done $0x0  }
0x25: {  	s18 =	smax.u32 s31, $0x1;
	s16 =	sadd.s32 $0x3000, s19;
	[sflag:s4] =	ssyncadd.s32 $0xFFFFE000  }
0x26: {  	[hbm4b:s16+s3] =	stream.linear.scatter [tilespmem:s10], [sflag:$0x2], $0x2000, $0x38;
	[tilespmem:$0x6880] =	vst v63  }
0x27: {  	p0 =	sne.s32 s18, $0x1;
	_ =	swait.ge [sflag:s4], $0x2000  }
.Ltmp0:
0x28: {  	[sflag:s4] =	ssyncset.done $0x0;
	(pc) =	sbr.rel @!p0 .LBB2_2-.Ltmp0, $4  }
0x29: {  	s17 =	sadd.s32 $0x1B000, s17;
	[sflag:s4] =	ssyncadd.s32 $0xFFFFE000  }
0x2a: {  	[hbm4b:s17+s3] =	stream.linear.scatter [tilespmem:s12], [sflag:$0x2], $0x800, $0x38;
	[tilespmem:$0x6880] =	vst v63  }
0x2b: {  	_ =	swait.ge [sflag:s4], $0x800  }
0x2c: {  	s18 =	sadd.s32 $0xFFFFFFFF, s18;
	[sflag:s4] =	ssyncset.done $0x0  }
.LBB2_1:
0x2d: {  	p0 =	sne.s32 s18, $0x1;
	s18 =	sadd.s32 $0xFFFFFFFF, s18;
	[sflag:s4] =	ssyncadd.s32 $0xFFFFF800  }
0x2e: {  	[tilespmem:s3], [sflag:$0x2] =	stream.linear.gather [hbm4b:s5+s3], $0x80, $0x38;
	[tilespmem:$0x6880] =	vst v63  }
0x2f: {  	_ =	swait.ge [sflag:s4], $0x80  }
0x30: {  	[sflag:s4] =	ssyncset.done $0x0  }
0x31: {  	[sflag:s4] =	ssyncadd.s32 $0xFFFFFF80  }
0x32: {  	[tilespmem:s6], [sflag:$0x1] =	stream.indirect.gather [hbm4b:s1+s6], $0x40, s3, s6, $0xb8;
	[tilespmem:$0x6880] =	vst v63  }
0x33: {  	_ = 	snop  }
0x34: {  	[tilespmem:s8], [sflag:$0x1] =	stream.indirect.gather [hbm4b:s7+s6], $0x40, s3, s6, $0xb8;
	[tilespmem:$0x6880] =	vst v63  }
0x35: {  	_ = 	snop  }
0x36: {  	[tilespmem:s10], [sflag:$0x1] =	stream.indirect.gather [hbm4b:s9+s6], $0x40, s3, s6, $0xb8;
	[tilespmem:$0x6880] =	vst v63  }
0x37: {  	_ = 	snop  }
0x38: {  	[tilespmem:s12], [sflag:$0x1] =	stream.indirect.gather [hbm4b:s11+s6], $0x10, s3, s6, $0xb8;
	[tilespmem:$0x6880] =	vst v63  }
0x39: {  	_ =	swait.ge [sflag:s13], $0x2000  }
0x3a: {  	[sflag:s13] =	ssyncset.done $0x0  }
0x3b: {  	[sflag:s13] =	ssyncadd.s32 $0xFFFFE000  }
0x3c: {  	_ =	swait.ge [sflag:s13], $0x2000  }
0x3d: {  	[sflag:s13] =	ssyncset.done $0x0  }
0x3e: {  	[sflag:s13] =	ssyncadd.s32 $0xFFFFE000  }
0x3f: {  	_ =	swait.ge [sflag:s13], $0x2000  }
0x40: {  	[sflag:s13] =	ssyncset.done $0x0  }
0x41: {  	[sflag:s13] =	ssyncadd.s32 $0xFFFFE000  }
0x42: {  	_ =	swait.ge [sflag:s13], $0x800  }
0x43: {  	[sflag:s13] =	ssyncset.done $0x0  }
0x44: {  	[sflag:s13] =	ssyncadd.s32 $0xFFFFF800  }
0x45: {  	[hbm4b:s14+s3] =	stream.linear.scatter [tilespmem:s6], [sflag:$0x2], $0x2000, $0x38;
	[tilespmem:$0x6880] =	vst v63  }
0x46: {  	_ =	swait.ge [sflag:s4], $0x2000  }
0x47: {  	[sflag:s4] =	ssyncset.done $0x0  }
0x48: {  	[sflag:s4] =	ssyncadd.s32 $0xFFFFE000  }
0x49: {  	[hbm4b:s15+s3] =	stream.linear.scatter [tilespmem:s8], [sflag:$0x2], $0x2000, $0x38;
	[tilespmem:$0x6880] =	vst v63  }
0x4a: {  	_ =	swait.ge [sflag:s4], $0x2000  }
0x4b: {  	[sflag:s4] =	ssyncset.done $0x0  }
0x4c: {  	[sflag:s4] =	ssyncadd.s32 $0xFFFFE000  }
0x4d: {  	[hbm4b:s16+s3] =	stream.linear.scatter [tilespmem:s10], [sflag:$0x2], $0x2000, $0x38;
	[tilespmem:$0x6880] =	vst v63  }
0x4e: {  	_ =	swait.ge [sflag:s4], $0x2000  }
.Ltmp1:
0x4f: {  	[sflag:s4] =	ssyncset.done $0x0;
	(pc) =	sbr.rel @p0 .LBB2_1-.Ltmp1, $4  }
0x50: {  	[sflag:s4] =	ssyncadd.s32 $0xFFFFE000  }
0x51: {  	[hbm4b:s17+s3] =	stream.linear.scatter [tilespmem:s12], [sflag:$0x2], $0x800, $0x38;
	[tilespmem:$0x6880] =	vst v63  }
0x52: {  	_ =	swait.ge [sflag:s4], $0x800  }
0x53: {  	[sflag:s4] =	ssyncset.done $0x0  }
.LBB2_2:
0x54: {  	[sflag:s4] =	ssyncadd.s32 $0xFFFFF800  }
0x55: {  	_ =	sfence.sel $0x180000  }
0x56: {  	[bflag:$0x0] =	sbarrier.arrive $0xFFFF  }
0x57: {  	p0 =	sne.s32 s0, $0x0;
	_ =	strace $0x9000004D  }
0x58: {  	s0 =	sadd.s32 @!p0 $0x100000, s2;
	[bflag:$0x2] =	sbarrier.arrive $0xFFFF  }
0x59: {  	[sflag:s0] =	ssyncadd.tile.s32 @!p0 $0x1;
	_ =	shalt  }
.Lfunc_end2:
_tile_overlayer_lowered:
.L_overlay_start_2:
0x5a: {  	(tag) =	ssettag $0x2  }
0x5b: {  	s0 =	rddreg [dreg:$0x0];
	s2 =	stileid.u32  }
0x5c: {  	s1 =	rddreg [dreg:$0x1];
	p0 =	sne.s32 s2, $0x0  }
0x5d: {  	s3 =	rddreg [dreg:$0x2];
	[bflag:$0x3] =	sbarrier.arrive $0xFFFF;
	s2 =	simm.s32 @!p0 $0x1C02  }
0x5e: {  	[timem:s3], [sflag:s2] =	dma.local @!p0 [hbm:s0], s1  }
0x5f: {  	s0 =	simm.s32 @!p0 $0x2  }
0x60: {  	_ =	swait.ge @!p0 [sflag:s0], s1  }
0x61: {  	s1 =	ssub.s32 @!p0 $0x0, s1;
	[sflag:s0] =	ssyncset.done @!p0 $0x0  }
0x62: {  	[sflag:s0] =	ssyncadd.s32 @!p0 s1  }
0x63: {  	[bflag:$0x3] =	sbarrier.arrive $0xFFFF  }
0x64: {  	_ =	shalt  }

// kernel: kernel.9.cloned.1.call-start
scs
__scs_entry_jumppad:
0x0: {  	(pc) =	sbr.rel $0x88, $3  }
0x1: {  	(tag) =	ssettag $0x0;
	lr =	simm.s32 $0x1  }
0x2: {  	[smem:$0x3F93] =	sst lr;
	_ =	strace $0xD0000000  }
0x3: {  	_ = 	snop  }
0x4: {  	_ = 	snop  }
0x5: {  	_ = 	snop  }
0x6: {  	_ = 	snop  }
0x7: {  	_ = 	snop  }
__scs_overlays_trampoline_lowered:
0x8: {  	[smem:$0x3FA2] =	sst s0  }
0x9: {  	[smem:$0x3FA3] =	sst s1  }
0xa: {  	[smem:$0x3FA4] =	sst s2  }
0xb: {  	[smem:$0x3FA5] =	sst s3  }
0xc: {  	[smem:$0x3FA6] =	sst s4  }
0xd: {  	[smem:$0x3FA7] =	sst s5  }
0xe: {  	[smem:$0x3FA8] =	sst s6  }
0xf: {  	[smem:$0x3FA9] =	sst s7  }
0x10: {  	[smem:$0x3FAA] =	sst s8  }
0x11: {  	[smem:$0x3FAB] =	sst s9;
	s0 =	simm.s32 @!p0 $0x0  }
0x12: {  	s1 =	sld [smem:$0x3F91];
	s0 =	simm.s32 @p0 $0x1  }
0x13: {  	[smem:$0x3FAC] =	sst s0;
	s0 =	simm.s32 @!p1 $0x0  }
0x14: {  	s2 =	sld [smem:$0x3F90];
	s0 =	simm.s32 @p1 $0x1  }
0x15: {  	[smem:$0x3FAD] =	sst s0;
	s0 =	simm.s32 @!p2 $0x0  }
0x16: {  	s3 =	sld [smem:$0x3FDB];
	s0 =	simm.s32 @p2 $0x1  }
0x17: {  	s4 =	simm.s32 $0x1BF5;
	[smem:$0x3FAF] =	sst s0  }
0x18: {  	s0 =	sld [smem:$0x3F92];
	_ =	swait.ge [sflag:s4], $0x0  }
0x19: {  	s7 =	sld [smem:$0x3F93]  }
0x1a: {  	s8 =	sadd.s32 $0xFFFFE003, lr  }
0x1b: {  	s9 =	sadd.s32 $0xFFFFFEF7, lr;
	s5 =	simm.s32 $0xFFFFFFFF;
	p2 =	slt.u32 s8, $0xFFFFF086  }
0x1c: {  	p1 =	slt.u32 s9, $0xF7A;
	s5 =	simm.s32 @!p2 $0x0  }
0x1d: {  	s5 =	simm.s32 @p1 $0x1;
	p0 =	seq.s32 s7, s2  }
0x1e: {  	s7 =	smul.u32 @!p0 $0xF7A, s2;
	p2 =	seq.s32 @!p0 s5, $0x0  }
0x1f: {  	s9 =	smul.u32 $0xF7A, s1;
	s8 =	simm.s32 @!p0 $0x1BF5;
	p2 =	por !p2, p0  }
0x20: {  	[sflag:s8] =	ssyncset.s32 @!p0 $0xFFFFF086;
	s6 =	sadd.s32 @!p0 s3, s7;
	s7 =	simm.s32 @!p0 $0x108  }
0x21: {  	s3 =	sadd.s32 s3, s9;
	s6 =	sadd.s32 @!p0 $0x88, s6;
	s7 =	simm.s32 @p2 $0x1082  }
0x22: {  	[simem:s7], [sflag:s8] =	dma.local @!p0 [hbm:s6], $0xF7A  }
0x23: {  	s9 =	sor.u32 $0xD0000000, s2;
	s6 =	simm.s32 $0x108;
	_ =	swait.ge @!p0 [sflag:s8], $0x0  }
0x24: {  	s3 =	sadd.s32 $0x88, s3;
	s6 =	simm.s32 @!p1 $0x1082;
	[sflag:s4] =	ssyncset.s32 $0xFFFFF086  }
0x25: {  	[simem:s6], [sflag:s4] =	dma.local [hbm:s3], $0xF7A  }
0x26: {  	[smem:$0x3F93] =	sst s1;
	(tag) =	ssettag s2;
	_ =	strace s9  }
0x27: {  	s1 =	sld [smem:$0x3FA3]  }
0x28: {  	s2 =	sld [smem:$0x3FA4]  }
0x29: {  	s4 =	sld [smem:$0x3FA6]  }
0x2a: {  	p0 =	seq.s32 s5, $0x0;
	s5 =	sld [smem:$0x3FA7]  }
0x2b: {  	s6 =	sld [smem:$0x3FA8]  }
0x2c: {  	s7 =	sld [smem:$0x3FA9]  }
0x2d: {  	s3 =	simm.s32 $0x108;
	s8 =	sld [smem:$0x3FAA]  }
0x2e: {  	s3 =	simm.s32 @!p0 $0x1082;
	s9 =	sld [smem:$0x3FAB]  }
0x2f: {  	lr =	sadd.s32 s0, s3;
	s0 =	sld [smem:$0x3FA2]  }
0x30: {  	s3 =	sld [smem:$0x3FA5]  }
0x31: {  	[smem:$0x3FAE] =	sst s10  }
0x32: {  	s10 =	sld [smem:$0x3FAC];
	_ =	sdelay $0x3  }
0x33: {  	p0 =	seq.s32 s10, $0x1;
	s10 =	sld [smem:$0x3FAE];
	_ =	sdelay $0x3  }
0x34: {  	[smem:$0x3FAE] =	sst s10  }
0x35: {  	s10 =	sld [smem:$0x3FAD];
	_ =	sdelay $0x3  }
0x36: {  	p1 =	seq.s32 s10, $0x1;
	s10 =	sld [smem:$0x3FAE];
	_ =	sdelay $0x3  }
0x37: {  	[smem:$0x3FAE] =	sst s10  }
0x38: {  	s10 =	sld [smem:$0x3FAF]  }
0x39: {  	_ = 	snop;
	(pc) =	sbr.ind lr, $3  }
0x3a: {  	_ = 	snop  }
0x3b: {  	_ = 	snop  }
0x3c: {  	p2 =	seq.s32 s10, $0x1;
	s10 =	sld [smem:$0x3FAE]  }
0x3d: {  	_ =	shalt  }
0x3e: {  	_ =	shalt  }
0x3f: {  	_ =	shalt  }
0x40: {  	_ =	shalt  }
0x41: {  	_ =	shalt  }
0x42: {  	_ =	shalt  }
0x43: {  	_ =	shalt  }
0x44: {  	_ =	shalt  }
0x45: {  	_ =	shalt  }
0x46: {  	_ =	shalt  }
0x47: {  	_ =	shalt  }
0x48: {  	_ =	shalt  }
0x49: {  	_ =	shalt  }
0x4a: {  	_ =	shalt  }
0x4b: {  	_ =	shalt  }
0x4c: {  	_ =	shalt  }
0x4d: {  	_ =	shalt  }
0x4e: {  	_ =	shalt  }
0x4f: {  	_ =	shalt  }
0x50: {  	_ =	shalt  }
0x51: {  	_ =	shalt  }
0x52: {  	_ =	shalt  }
0x53: {  	_ =	shalt  }
0x54: {  	_ =	shalt  }
0x55: {  	_ =	shalt  }
0x56: {  	_ =	shalt  }
0x57: {  	_ =	shalt  }
0x58: {  	_ =	shalt  }
0x59: {  	_ =	shalt  }
0x5a: {  	_ =	shalt  }
0x5b: {  	_ =	shalt  }
0x5c: {  	_ =	shalt  }
0x5d: {  	_ =	shalt  }
0x5e: {  	_ =	shalt  }
0x5f: {  	_ =	shalt  }
0x60: {  	_ =	shalt  }
0x61: {  	_ =	shalt  }
0x62: {  	_ =	shalt  }
0x63: {  	_ =	shalt  }
0x64: {  	_ =	shalt  }
0x65: {  	_ =	shalt  }
0x66: {  	_ =	shalt  }
0x67: {  	_ =	shalt  }
0x68: {  	_ =	shalt  }
0x69: {  	_ =	shalt  }
0x6a: {  	_ =	shalt  }
0x6b: {  	_ =	shalt  }
0x6c: {  	_ =	shalt  }
0x6d: {  	_ =	shalt  }
0x6e: {  	_ =	shalt  }
0x6f: {  	_ =	shalt  }
0x70: {  	_ =	shalt  }
0x71: {  	_ =	shalt  }
0x72: {  	_ =	shalt  }
0x73: {  	_ =	shalt  }
0x74: {  	_ =	shalt  }
0x75: {  	_ =	shalt  }
0x76: {  	_ =	shalt  }
0x77: {  	_ =	shalt  }
0x78: {  	_ =	shalt  }
0x79: {  	_ =	shalt  }
0x7a: {  	_ =	shalt  }
0x7b: {  	_ =	shalt  }
0x7c: {  	_ =	shalt  }
0x7d: {  	_ =	shalt  }
0x7e: {  	_ =	shalt  }
0x7f: {  	_ =	shalt  }
0x80: {  	_ =	shalt  }
0x81: {  	_ =	shalt  }
0x82: {  	_ =	shalt  }
0x83: {  	_ =	shalt  }
0x84: {  	_ =	shalt  }
0x85: {  	_ =	shalt  }
0x86: {  	_ =	shalt  }
0x87: {  	_ =	shalt  }
.Lfunc_end0:
.L_simem_size_0:
called_computation_lowered:
.L_overlay_start_0:
0x88: {  	s2 =	sld [smem:$0x3FD9]  }
0x89: {  	s3 =	sld [smem:$0x3FFE];
	_ =	sdelay $0x1  }
0x8a: {  	s1 =	srdreg.scid  }
0x8b: {  	s0 =	sand.u32 $0x1, s1  }
0x8c: {  	s17 =	sshll.u32 s0, $0xA;
	s2 =	sadd.s32 s3, s2  }
0x8d: {  	s2 =	sadd.s32 s2, s17  }
0x8e: {  	[smem:$0x3FBA] =	sst s2  }
0x8f: {  	_ = 	snop  }
0x90: {  	s2 =	sld [smem:$0x3FD0];
	(tm) =	ssettm $0x1  }
0x91: {  	s18 =	sld [smem:$0x3FFB];
	_ =	sdelay $0x3  }
0x92: {  	_ =	strace s18  }
0x93: {  	s3 =	sld [smem:$0x3FFC];
	_ =	sdelay $0x3  }
0x94: {  	_ =	strace s3  }
0x95: {  	s3 =	sld [smem:$0x3FFD];
	_ =	sdelay $0x3  }
0x96: {  	_ =	strace s3  }
0x97: {  	_ =	strace $0x8FFFFFFF  }
0x98: {  	s19 =	sld [smem:$0x3FDB];
	_ =	sdelay $0x1  }
0x99: {  	s4 =	simm.s32 $_scs_section_size  }
0x9a: {  	s5 =	simm.s32 $_size__tile_overlayer_lowered;
	s6 =	simm.s32 $_tile_overlayer_lowered  }
0x9b: {  	s22 =	simm.s32 $0x1BFF;
	s21 =	sshll.u32 s6, $0x1;
	s3 =	sadd.s32 s4, s19  }
0x9c: {  	s7 =	simm.s32 $0x0;
	s20 =	sshll.u32 s5, $0x1;
	s5 =	sadd.s32 s21, s3  }
0x9d: {  	[timem:s7], [sflag:s22] =	dma.local [hbm:s5], s20  }
0x9e: {  	_ =	swait.ge [sflag:s22], s20  }
0x9f: {  	s4 =	ssub.s32 $0x0, s20;
	[sflag:s22] =	ssyncset.done $0x0  }
0xa0: {  	[sflag:s22] =	ssyncadd.s32 s4;
	_ =	sdelay $0x1  }
0xa1: {  	s23 =	simm.s32 $0x1B8B  }
0xa2: {  	_ =	swait.ge [sflag:s23], $0x1  }
0xa3: {  	[sflag:s23] =	ssyncset.done $0x0  }
0xa4: {  	s25 =	simm.s32 $0x1B8E;
	s24 =	sld [smem:$0x3FFE];
	[sflag:s23] =	ssyncadd.s32 $0xFFFFFFFF  }
0xa5: {  	s26 =	simm.s32 $execute0_lowered;
	[smem:$0x3FD2] =	sst s25  }
0xa6: {  	s5 =	sshll.u32 s26, $0x1;
	_ =	strace $0x80000046;
	[dreg:$0x1] =	wrdreg $0xFFFFFFFF  }
0xa7: {  	s28 =	simm.s32 $_size_execute0_lowered;
	s3 =	sadd.s32 s3, s5;
	[dreg:$0x0] =	wrdreg $0x0  }
0xa8: {  	s5 =	sshll.u32 s28, $0x1;
	[dreg:$0x2] =	wrdreg s3  }
0xa9: {  	[dreg:$0x3] =	wrdreg s5  }
0xaa: {  	[dreg:$0x4] =	wrdreg $0xC0  }
0xab: {  	_ =	task [dreg:s7], $0x5FFFF  }
0xac: {  	[dreg:$0x1] =	wrdreg $0xFFFFFFFF  }
0xad: {  	[dreg:$0x0] =	wrdreg $0x60  }
0xae: {  	[dreg:$0x2] =	wrdreg s24  }
0xaf: {  	[dreg:$0x3] =	wrdreg s2  }
0xb0: {  	[dreg:$0x4] =	wrdreg $0xA4000  }
0xb1: {  	[dreg:$0x5] =	wrdreg $0x14A000  }
0xb2: {  	[dreg:$0x6] =	wrdreg $0x9  }
0xb3: {  	_ =	task.clear_ibuf [dreg:s7], $0x7FFFF;
	_ =	strace $0x90000046  }
0xb4: {  	s29 =	simm.s32 $0x9;
	_ =	strace $0x80000048  }
0xb5: {  	_ =	swait.ge [sflag:s29], $0x1  }
0xb6: {  	[sflag:s29] =	ssyncadd.s32 $0xFFFFFFFF  }
0xb7: {  	_ =	strace $0x90000048  }
0xb8: {  	_ =	sfence  }
0xb9: {  	s30 =	sld [smem:$0x0];
	_ =	sdelay $0x2  }
0xba: {  	s31 =	sshll.u32 s1, $0xD;
	s1 =	sshrl.u32 s1, $0x2  }
0xbb: {  	s3 =	sand.u32 $0x4000, s31;
	s1 =	sadd.s32 s1, s30  }
0xbc: {  	s0 =	sor.u32 s3, s0;
	s1 =	sshll.u32 s1, $0x11  }
0xbd: {  	s0 =	sor.u32 s1, s0  }
0xbe: {  	s0 =	sadd.s32 $0x8F2B, s0  }
0xbf: {  	[sflag:s0] =	ssyncadd.remote.s32 $0x1  }
0xc0: {  	_ =	sfence.sel $0xFFFF  }
0xc1: {  	[dreg:$0x0] =	wrdreg $0xFFFFFFFF;
	(pc) =	sbr.abs _section_cstart, $3  }
0xc2: {  	[dreg:$0x1] =	wrdreg $0xFFFFFFFF  }
0xc3: {  	_ =	task.clear_ibuf [dreg:s7], $0x2FFFF;
	_ =	strace $0x9FFFFFFF  }
0xc4: {  	(tm) =	ssettm $0x7FFFFFFF  }
0xc5: {  	_ =	shalt  }
tec
execute0_lowered:
.L_overlay_start_1:
0x0: {  	(tag) =	ssettag $0x1  }
0x1: {  	s7 =	rddreg [dreg:$0x0]  }
0x2: {  	s12 =	rddreg [dreg:$0x1]  }
0x3: {  	s1 =	srdreg.scid;
	s2 =	rddreg [dreg:$0x2]  }
0x4: {  	s0 =	stileid.u32;
	s3 =	rddreg [dreg:$0x3]  }
0x5: {  	s4 =	simm.s32 $0x0;
	s21 =	simm.s32 $0x6400;
	s22 =	simm.s32 $0x8400  }
0x6: {  	s23 =	simm.s32 $0x1;
	s24 =	simm.s32 $0x2;
	s15 =	sand.u32 $0x1, s1  }
0x7: {  	s25 =	sshll.u32 s0, $0x1;
	s10 =	smul.u32 $0x9E00, s0;
	[smem:$0x7FF] =	sst s4  }
0x8: {  	s9 =	smul.u32 $0x2780, s0;
	s5 =	sadd.s32 $0x1C000, s7;
	s30 =	sshll.u32 s0, $0x6  }
0x9: {  	s1 =	sor.u32 s15, s25;
	s8 =	smul.u32 $0x27800, s15;
	s16 =	ssub.s32 $0x2, s15  }
0xa: {  	s18 =	smul.u32 $0x9E000, s15;
	p0 =	sne.s32 s15, $0x0;
	s25 =	simm.s32 $0x0  }
0xb: {  	s6 =	smul.u32 $0x640, s1;
	s1 =	rddreg [dreg:$0x4];
	_ =	strace $0x80000047  }
0xc: {  	s26 =	sshrl.u32 s10, $0x3;
	s28 =	sshrl.u32 s9, $0x3;
	s29 =	sshrl.u32 s16, $0x1  }
0xd: {  	s19 =	sadd.s32 s10, s2;
	s20 =	sadd.s32 s9, s3;
	s13 =	sadd.s32 s26, s7  }
0xe: {  	s8 =	sadd.s32 s9, s8;
	s14 =	sadd.s32 s28, s7;
	s16 =	ssub.s32 s16, s29  }
0xf: {  	s31 =	sadd.s32 s10, s18;
	s15 =	sshrl.u32 s19, $0x3;
	s18 =	simm.s32 $0x14200  }
0x10: {  	s19 =	simm.s32 $0x3200;
	s11 =	sadd.s32 s6, s7;
	s8 =	sshrl.u32 s8, $0x3  }
.Ltmp0:
0x11: {  	s6 =	sadd.s32 $0x48600, s7;
	s9 =	sadd.s32 $0x43600, s14;
	(pc) =	sbr.rel .LBB2_1-.Ltmp0, $4  }
0x12: {  	s14 =	smax.u32 s16, $0x1;
	s16 =	simm.s32 $0x3;
	s17 =	sadd.s32 s8, s7  }
0x13: {  	s7 =	sadd.s32 $0x2FA00, s13;
	s8 =	sor.u32 $0x1C03, s30;
	s13 =	sshrl.u32 s31, $0x3  }
0x14: {  	s10 =	sadd.s32 $0xF800, s11;
	s11 =	sadd.s32 $0x3000, s11;
	s12 =	sadd.s32 s12, s13  }
0x15: {  	s13 =	sadd.s32 $0x48800, s17;
	s17 =	sshrl.u32 s20, $0x3;
	s20 =	simm.s32 $0x80  }
.LBB2_5:
0x16: {  	s28 =	sadd.s32 $0x80, s26;
	[sflag:s16] =	ssyncadd.s32 @p1 $0xFFFFF800  }
0x17: {  	[tilespmem:s22], [sflag:$0x2] =	stream.indirect.gather [hbm4b:s5+s20], $0x40, s28, s20, $0xb8;
	[tilespmem:$0x17180] =	vst v63  }
0x18: {  	_ =	swait.ge [sflag:s23], $0x2000  }
0x19: {  	[sflag:s23] =	ssyncset.done $0x0  }
0x1a: {  	s28 =	sadd.s32 $0x3200, s26;
	[sflag:s23] =	ssyncadd.s32 $0xFFFFE000  }
0x1b: {  	[spmem:s2] =	stream.indirect.scatter.add.f32 [tilespmem:s21], [sflag:$0x3], $0x40, s28, s20, $0xb8;
	[tilespmem:$0x17180] =	vst v63  }
0x1c: {  	_ =	swait.ge [sflag:s16], $0x2000  }
0x1d: {  	[sflag:s16] =	ssyncset.done $0x0  }
0x1e: {  	[sflag:s16] =	ssyncadd.s32 $0xFFFFE000  }
0x1f: {  	[spmem:s3] =	stream.indirect.scatter.add.f32 [tilespmem:s18], [sflag:$0x3], $0x10, s28, s20, $0xb8;
	[tilespmem:$0x17180] =	vst v63  }
0x20: {  	_ =	swait.ge [sflag:s16], $0x800  }
0x21: {  	[sflag:s16] =	ssyncset.done $0x0  }
0x22: {  	s28 =	sadd.s32 $0x100, s26;
	[sflag:s16] =	ssyncadd.s32 $0xFFFFF800  }
0x23: {  	[tilespmem:s21], [sflag:$0x1] =	stream.indirect.gather [hbm4b:s5+s20], $0x40, s28, s20, $0xb8;
	[tilespmem:$0x17180] =	vst v63  }
0x24: {  	_ =	swait.ge [sflag:s24], $0x2000  }
0x25: {  	[sflag:s24] =	ssyncset.done $0x0  }
0x26: {  	s31 =	sadd.s32 $0x3280, s26;
	[sflag:s24] =	ssyncadd.s32 $0xFFFFE000  }
0x27: {  	[spmem:s2] =	stream.indirect.scatter.add.f32 [tilespmem:s22], [sflag:$0x3], $0x40, s31, s20, $0xb8;
	[tilespmem:$0x17180] =	vst v63  }
0x28: {  	_ =	swait.ge [sflag:s16], $0x2000  }
0x29: {  	[sflag:s16] =	ssyncset.done $0x0  }
0x2a: {  	[sflag:s16] =	ssyncadd.s32 $0xFFFFE000  }
0x2b: {  	[spmem:s3] =	stream.indirect.scatter.add.f32 [tilespmem:s18], [sflag:$0x3], $0x10, s31, s20, $0xb8;
	[tilespmem:$0x17180] =	vst v63  }
0x2c: {  	_ =	swait.ge [sflag:s16], $0x800  }
0x2d: {  	s29 =	simm.s32 $0x1C80;
	[sflag:s16] =	ssyncset.done $0x0  }
0x2e: {  	s26 =	simm.s32 $0x4E80;
	s28 =	simm.s32 $0x4E00;
	[sflag:s16] =	ssyncadd.s32 $0xFFFFF800  }
.LBB2_9:
0x2f: {  	[tilespmem:s22], [sflag:$0x2] =	stream.indirect.gather [hbm4b:s5+s20], $0x40, s29, s20, $0xb8;
	[tilespmem:$0x17180] =	vst v63  }
0x30: {  	_ =	swait.ge [sflag:s23], $0x2000  }
0x31: {  	[sflag:s23] =	ssyncset.done $0x0  }
0x32: {  	[sflag:s23] =	ssyncadd.s32 $0xFFFFE000  }
0x33: {  	[spmem:s2] =	stream.indirect.scatter.add.f32 [tilespmem:s21], [sflag:$0x3], $0x40, s28, s20, $0xb8;
	[tilespmem:$0x17180] =	vst v63  }
0x34: {  	_ =	swait.ge [sflag:s16], $0x2000  }
0x35: {  	[sflag:s16] =	ssyncset.done $0x0  }
0x36: {  	[sflag:s16] =	ssyncadd.s32 $0xFFFFE000  }
0x37: {  	[spmem:s3] =	stream.indirect.scatter.add.f32 [tilespmem:s18], [sflag:$0x3], $0x10, s28, s20, $0xb8;
	[tilespmem:$0x17180] =	vst v63  }
0x38: {  	_ =	swait.ge [sflag:s16], $0x800  }
0x39: {  	[sflag:s16] =	ssyncset.done $0x0  }
0x3a: {  	[sflag:s16] =	ssyncadd.s32 $0xFFFFF800  }
0x3b: {  	_ =	swait.ge [sflag:s24], $0x2000  }
0x3c: {  	[sflag:s24] =	ssyncset.done $0x0  }
0x3d: {  	[sflag:s24] =	ssyncadd.s32 $0xFFFFE000  }
0x3e: {  	[spmem:s2] =	stream.indirect.scatter.add.f32 [tilespmem:s22], [sflag:$0x3], $0x40, s26, s20, $0xb8;
	[tilespmem:$0x17180] =	vst v63  }
0x3f: {  	_ =	swait.ge [sflag:s16], $0x2000  }
0x40: {  	[sflag:s16] =	ssyncset.done $0x0  }
0x41: {  	[sflag:s16] =	ssyncadd.s32 $0xFFFFE000  }
0x42: {  	[spmem:s3] =	stream.indirect.scatter.add.f32 [tilespmem:s18], [sflag:$0x3], $0x10, s26, s20, $0xb8;
	[tilespmem:$0x17180] =	vst v63  }
0x43: {  	_ =	swait.ge [sflag:s16], $0x800  }
0x44: {  	[sflag:s16] =	ssyncset.done $0x0  }
0x45: {  	[sflag:s16] =	ssyncadd.s32 $0xFFFFF800  }
0x46: {  	[bflag:$0x0] =	sbarrier.arrive $0xFFFF  }
0x47: {  	[hbm:s12], [sflag:s8] =	dma.local [spmem:s15], $0x13C0  }
0x48: {  	s25 =	sadd.s32 $0x1, s25;
	_ =	swait.ge [sflag:s16], $0x13C0  }
0x49: {  	p1 =	sne.s32 s25, s14;
	[sflag:s16] =	ssyncset.done $0x0  }
.Ltmp1:
0x4a: {  	[sflag:s16] =	ssyncadd.s32 $0xFFFFEC40;
	(pc) =	sbr.rel @!p1 .LBB2_10-.Ltmp1, $4  }
0x4b: {  	[hbm:s13], [sflag:s8] =	dma.local [spmem:s17], $0x4F0  }
0x4c: {  	_ =	swait.ge [sflag:s16], $0x4F0  }
0x4d: {  	[sflag:s16] =	ssyncset.done $0x0  }
0x4e: {  	[sflag:s16] =	ssyncadd.s32 $0xFFFFFB10  }
.LBB2_1:
0x4f: {  	[spmem:s15], [sflag:s8] =	dma.local [hbm:s7], $0x13C0  }
0x50: {  	_ =	swait.ge [sflag:s16], $0x13C0  }
0x51: {  	[sflag:s16] =	ssyncset.done $0x0  }
0x52: {  	[sflag:s16] =	ssyncadd.s32 $0xFFFFEC40  }
0x53: {  	[spmem:s17], [sflag:s8] =	dma.local [hbm:s9], $0x4F0  }
0x54: {  	_ =	swait.ge [sflag:s16], $0x4F0  }
0x55: {  	[sflag:s16] =	ssyncset.done $0x0  }
0x56: {  	[sflag:s16] =	ssyncadd.s32 $0xFFFFFB10  }
0x57: {  	[tilespmem:s18], [sflag:$0x3] =	stream.linear.gather [hbm4b:s6+s4], $0x800, $0x38;
	[tilespmem:$0x17180] =	vst v63  }
0x58: {  	_ =	swait.ge [sflag:s16], $0x800  }
0x59: {  	[sflag:s16] =	ssyncset.done $0x0  }
0x5a: {  	[sflag:s16] =	ssyncadd.s32 $0xFFFFF800  }
0x5b: {  	[tilespmem:s4], [sflag:$0x3] =	stream.linear.gather [hbm4b:s10+s4], $0x3200, $0x38;
	[tilespmem:$0x17180] =	vst v63  }
0x5c: {  	_ =	swait.ge [sflag:s16], $0x3200  }
0x5d: {  	[sflag:s16] =	ssyncset.done $0x0  }
0x5e: {  	[sflag:s16] =	ssyncadd.s32 $0xFFFFCE00  }
0x5f: {  	[tilespmem:s19], [sflag:$0x3] =	stream.linear.gather [hbm4b:s11+s4], $0x3200, $0x38;
	[tilespmem:$0x17180] =	vst v63  }
.Ltmp2:
0x60: {  	_ =	swait.ge [sflag:s16], $0x3200;
	(pc) =	sbr.rel @p0 .LBB2_6-.Ltmp2, $4  }
0x61: {  	[sflag:s16] =	ssyncset.done $0x0  }
0x62: {  	[sflag:s16] =	ssyncadd.s32 $0xFFFFCE00  }
0x63: {  	[bflag:$0x0] =	sbarrier.arrive $0xFFFF  }
0x64: {  	[tilespmem:s21], [sflag:$0x1] =	stream.indirect.gather [hbm4b:s5+s20], $0x40, s4, s20, $0xb8;
	[tilespmem:$0x17180] =	vst v63  }
0x65: {  	p2 =	por $0x0, $0x0  }
.Ltmp3:
0x66: {  	_ = 	snop;
	(pc) =	sbr.rel @p2 .LBB2_5-.Ltmp3, $2  }
0x67: {  	_ =	sdelay $0x2  }
0x68: {  	s26 =	simm.s32 $0x0;
	p1 =	por $0x0, $0x0  }
0x69: {  	s26 =	simm.s32 $0x80  }
0x6a: {  	[tilespmem:s22], [sflag:$0x2] =	stream.indirect.gather [hbm4b:s5+s20], $0x40, s26, s20, $0xb8;
	[tilespmem:$0x17180] =	vst v63  }
0x6b: {  	_ =	swait.ge [sflag:s23], $0x2000  }
0x6c: {  	[sflag:s23] =	ssyncset.done $0x0  }
0x6d: {  	s29 =	simm.s32 $0x3200;
	[sflag:s23] =	ssyncadd.s32 $0xFFFFE000  }
0x6e: {  	[spmem:s2] =	stream.indirect.scatter.add.f32 [tilespmem:s21], [sflag:$0x3], $0x40, s29, s20, $0xb8;
	[tilespmem:$0x17180] =	vst v63  }
0x6f: {  	_ =	swait.ge [sflag:s16], $0x2000  }
0x70: {  	[sflag:s16] =	ssyncset.done $0x0  }
0x71: {  	[sflag:s16] =	ssyncadd.s32 $0xFFFFE000  }
0x72: {  	[spmem:s3] =	stream.indirect.scatter.add.f32 [tilespmem:s18], [sflag:$0x3], $0x10, s29, s20, $0xb8;
	[tilespmem:$0x17180] =	vst v63  }
0x73: {  	_ =	swait.ge [sflag:s16], $0x800  }
0x74: {  	[sflag:s16] =	ssyncset.done $0x0  }
0x75: {  	s30 =	simm.s32 $0x100;
	[sflag:s16] =	ssyncadd.s32 $0xFFFFF800  }
0x76: {  	[tilespmem:s21], [sflag:$0x1] =	stream.indirect.gather [hbm4b:s5+s20], $0x40, s30, s20, $0xb8;
	[tilespmem:$0x17180] =	vst v63  }
0x77: {  	_ =	swait.ge [sflag:s24], $0x2000  }
0x78: {  	[sflag:s24] =	ssyncset.done $0x0  }
0x79: {  	s31 =	simm.s32 $0x3280;
	[sflag:s24] =	ssyncadd.s32 $0xFFFFE000  }
0x7a: {  	[spmem:s2] =	stream.indirect.scatter.add.f32 [tilespmem:s22], [sflag:$0x3], $0x40, s31, s20, $0xb8;
	[tilespmem:$0x17180] =	vst v63  }
0x7b: {  	p2 =	por $0x0, $0x0;
	_ =	swait.ge [sflag:s16], $0x2000  }
.Ltmp4:
0x7c: {  	[sflag:s16] =	ssyncset.done $0x0;
	(pc) =	sbr.rel @p2 .LBB2_5-.Ltmp4, $4  }
0x7d: {  	[sflag:s16] =	ssyncadd.s32 $0xFFFFE000  }
0x7e: {  	[spmem:s3] =	stream.indirect.scatter.add.f32 [tilespmem:s18], [sflag:$0x3], $0x10, s31, s20, $0xb8;
	[tilespmem:$0x17180] =	vst v63  }
0x7f: {  	s28 =	simm.s32 $0x800;
	_ =	swait.ge [sflag:s16], $0x800  }
0x80: {  	p1 =	por $0x1, $0x1;
	s26 =	simm.s32 $0x100;
	[sflag:s16] =	ssyncset.done $0x0  }
.LBB2_4:
0x81: {  	s29 =	sadd.s32 $0x80, s26  }
0x82: {  	[sflag:s16] =	ssyncadd.s32 $0xFFFFF800;
	s30 =	smov.u32 s28;
	s31 =	sadd.s32 $0x400, s28  }
0x83: {  	[tilespmem:s22], [sflag:$0x2] =	stream.indirect.gather [hbm4b:s5+s20], $0x40, s29, s20, $0xb8;
	[tilespmem:$0x17180] =	vst v63  }
0x84: {  	p2 =	seq.s32 s28, $0x6C00;
	_ =	swait.ge [sflag:s23], $0x2000  }
0x85: {  	[sflag:s23] =	ssyncset.done $0x0  }
0x86: {  	s28 =	sadd.s32 $0x3200, s26;
	[sflag:s23] =	ssyncadd.s32 $0xFFFFE000  }
0x87: {  	[spmem:s2] =	stream.indirect.scatter.add.f32 [tilespmem:s21], [sflag:$0x3], $0x40, s28, s20, $0xb8;
	[tilespmem:$0x17180] =	vst v63  }
0x88: {  	_ =	swait.ge [sflag:s16], $0x2000  }
0x89: {  	[sflag:s16] =	ssyncset.done $0x0  }
0x8a: {  	[sflag:s16] =	ssyncadd.s32 $0xFFFFE000  }
0x8b: {  	[spmem:s3] =	stream.indirect.scatter.add.f32 [tilespmem:s18], [sflag:$0x3], $0x10, s28, s20, $0xb8;
	[tilespmem:$0x17180] =	vst v63  }
0x8c: {  	_ =	swait.ge [sflag:s16], $0x800  }
0x8d: {  	[sflag:s16] =	ssyncset.done $0x0  }
0x8e: {  	s28 =	sadd.s32 $0x100, s26;
	[sflag:s16] =	ssyncadd.s32 $0xFFFFF800  }
0x8f: {  	[tilespmem:s21], [sflag:$0x1] =	stream.indirect.gather [hbm4b:s5+s20], $0x40, s28, s20, $0xb8;
	[tilespmem:$0x17180] =	vst v63  }
0x90: {  	_ =	swait.ge [sflag:s24], $0x2000  }
0x91: {  	[sflag:s24] =	ssyncset.done $0x0  }
0x92: {  	s26 =	sadd.s32 $0x3280, s26;
	[sflag:s24] =	ssyncadd.s32 $0xFFFFE000  }
0x93: {  	[spmem:s2] =	stream.indirect.scatter.add.f32 [tilespmem:s22], [sflag:$0x3], $0x40, s26, s20, $0xb8;
	[tilespmem:$0x17180] =	vst v63  }
0x94: {  	_ =	swait.ge [sflag:s16], $0x2000  }
.Ltmp5:
0x95: {  	[sflag:s16] =	ssyncset.done $0x0;
	(pc) =	sbr.rel @!p2 .LBB2_4-.Ltmp5, $4  }
0x96: {  	[sflag:s16] =	ssyncadd.s32 $0xFFFFE000  }
0x97: {  	[spmem:s3] =	stream.indirect.scatter.add.f32 [tilespmem:s18], [sflag:$0x3], $0x10, s26, s20, $0xb8;
	[tilespmem:$0x17180] =	vst v63  }
0x98: {  	_ =	swait.ge [sflag:s16], $0x800  }
0x99: {  	s28 =	smov.u32 s31;
	s26 =	sshra.s32 s30, $0x2;
	[sflag:s16] =	ssyncset.done $0x0  }
.Ltmp6:
0x9a: {  	_ = 	snop;
	(pc) =	sbr.rel .LBB2_5-.Ltmp6, $1  }
0x9b: {  	_ =	sdelay $0x3  }
.LBB2_6:
0x9c: {  	s26 =	simm.s32 $0x80  }
0x9d: {  	[tilespmem:s22], [sflag:$0x2] =	stream.indirect.gather [hbm4b:s5+s20], $0x40, s26, s20, $0xb8;
	[tilespmem:$0x17180] =	vst v63  }
0x9e: {  	_ =	swait.ge [sflag:s23], $0x2000  }
0x9f: {  	[sflag:s23] =	ssyncset.done $0x0  }
0xa0: {  	s29 =	simm.s32 $0x3200;
	[sflag:s23] =	ssyncadd.s32 $0xFFFFE000  }
0xa1: {  	[spmem:s2] =	stream.indirect.scatter.add.f32 [tilespmem:s21], [sflag:$0x3], $0x40, s29, s20, $0xb8;
	[tilespmem:$0x17180] =	vst v63  }
0xa2: {  	_ =	swait.ge [sflag:s16], $0x2000  }
0xa3: {  	[sflag:s16] =	ssyncset.done $0x0  }
0xa4: {  	[sflag:s16] =	ssyncadd.s32 $0xFFFFE000  }
0xa5: {  	[spmem:s3] =	stream.indirect.scatter.add.f32 [tilespmem:s18], [sflag:$0x3], $0x10, s29, s20, $0xb8;
	[tilespmem:$0x17180] =	vst v63  }
0xa6: {  	_ =	swait.ge [sflag:s16], $0x800  }
0xa7: {  	[sflag:s16] =	ssyncset.done $0x0  }
0xa8: {  	s30 =	simm.s32 $0x100;
	[sflag:s16] =	ssyncadd.s32 $0xFFFFF800  }
0xa9: {  	[tilespmem:s21], [sflag:$0x1] =	stream.indirect.gather [hbm4b:s5+s20], $0x40, s30, s20, $0xb8;
	[tilespmem:$0x17180] =	vst v63  }
0xaa: {  	_ =	swait.ge [sflag:s24], $0x2000  }
0xab: {  	[sflag:s24] =	ssyncset.done $0x0  }
0xac: {  	s31 =	simm.s32 $0x3280;
	[sflag:s24] =	ssyncadd.s32 $0xFFFFE000  }
0xad: {  	[spmem:s2] =	stream.indirect.scatter.add.f32 [tilespmem:s22], [sflag:$0x3], $0x40, s31, s20, $0xb8;
	[tilespmem:$0x17180] =	vst v63  }
0xae: {  	_ =	swait.ge [sflag:s16], $0x2000  }
0xaf: {  	[sflag:s16] =	ssyncset.done $0x0  }
0xb0: {  	[sflag:s16] =	ssyncadd.s32 $0xFFFFE000  }
0xb1: {  	[spmem:s3] =	stream.indirect.scatter.add.f32 [tilespmem:s18], [sflag:$0x3], $0x10, s31, s20, $0xb8;
	[tilespmem:$0x17180] =	vst v63  }
0xb2: {  	_ =	swait.ge [sflag:s16], $0x800  }
0xb3: {  	s28 =	simm.s32 $0x800;
	s26 =	simm.s32 $0x100;
	[sflag:s16] =	ssyncset.done $0x0  }
.LBB2_7:
0xb4: {  	s29 =	sadd.s32 $0x80, s26  }
0xb5: {  	[sflag:s16] =	ssyncadd.s32 $0xFFFFF800;
	s30 =	smov.u32 s28;
	s31 =	sadd.s32 $0x400, s28  }
0xb6: {  	[tilespmem:s22], [sflag:$0x2] =	stream.indirect.gather [hbm4b:s5+s20], $0x40, s29, s20, $0xb8;
	[tilespmem:$0x17180] =	vst v63  }
0xb7: {  	p1 =	sne.s32 s28, $0xC000;
	_ =	swait.ge [sflag:s23], $0x2000  }
0xb8: {  	[sflag:s23] =	ssyncset.done $0x0  }
0xb9: {  	s28 =	sadd.s32 $0x3200, s26;
	[sflag:s23] =	ssyncadd.s32 $0xFFFFE000  }
0xba: {  	[spmem:s2] =	stream.indirect.scatter.add.f32 [tilespmem:s21], [sflag:$0x3], $0x40, s28, s20, $0xb8;
	[tilespmem:$0x17180] =	vst v63  }
0xbb: {  	_ =	swait.ge [sflag:s16], $0x2000  }
0xbc: {  	[sflag:s16] =	ssyncset.done $0x0  }
0xbd: {  	[sflag:s16] =	ssyncadd.s32 $0xFFFFE000  }
0xbe: {  	[spmem:s3] =	stream.indirect.scatter.add.f32 [tilespmem:s18], [sflag:$0x3], $0x10, s28, s20, $0xb8;
	[tilespmem:$0x17180] =	vst v63  }
0xbf: {  	_ =	swait.ge [sflag:s16], $0x800  }
0xc0: {  	[sflag:s16] =	ssyncset.done $0x0  }
0xc1: {  	s28 =	sadd.s32 $0x100, s26;
	[sflag:s16] =	ssyncadd.s32 $0xFFFFF800  }
0xc2: {  	[tilespmem:s21], [sflag:$0x1] =	stream.indirect.gather [hbm4b:s5+s20], $0x40, s28, s20, $0xb8;
	[tilespmem:$0x17180] =	vst v63  }
0xc3: {  	_ =	swait.ge [sflag:s24], $0x2000  }
0xc4: {  	[sflag:s24] =	ssyncset.done $0x0  }
0xc5: {  	s26 =	sadd.s32 $0x3280, s26;
	[sflag:s24] =	ssyncadd.s32 $0xFFFFE000  }
0xc6: {  	[spmem:s2] =	stream.indirect.scatter.add.f32 [tilespmem:s22], [sflag:$0x3], $0x40, s26, s20, $0xb8;
	[tilespmem:$0x17180] =	vst v63  }
0xc7: {  	_ =	swait.ge [sflag:s16], $0x2000  }
.Ltmp7:
0xc8: {  	[sflag:s16] =	ssyncset.done $0x0;
	(pc) =	sbr.rel @p1 .LBB2_7-.Ltmp7, $4  }
0xc9: {  	[sflag:s16] =	ssyncadd.s32 $0xFFFFE000  }
0xca: {  	[spmem:s3] =	stream.indirect.scatter.add.f32 [tilespmem:s18], [sflag:$0x3], $0x10, s26, s20, $0xb8;
	[tilespmem:$0x17180] =	vst v63  }
0xcb: {  	_ =	swait.ge [sflag:s16], $0x800  }
0xcc: {  	s28 =	smov.u32 s31;
	s26 =	sshra.s32 s30, $0x2;
	[sflag:s16] =	ssyncset.done $0x0  }
0xcd: {  	s28 =	sadd.s32 $0x80, s26;
	[sflag:s16] =	ssyncadd.s32 $0xFFFFF800  }
0xce: {  	[tilespmem:s22], [sflag:$0x2] =	stream.indirect.gather [hbm4b:s5+s20], $0x40, s28, s20, $0xb8;
	[tilespmem:$0x17180] =	vst v63  }
0xcf: {  	_ =	swait.ge [sflag:s23], $0x2000  }
0xd0: {  	[sflag:s23] =	ssyncset.done $0x0  }
0xd1: {  	s28 =	sadd.s32 $0x3200, s26;
	[sflag:s23] =	ssyncadd.s32 $0xFFFFE000  }
0xd2: {  	[spmem:s2] =	stream.indirect.scatter.add.f32 [tilespmem:s21], [sflag:$0x3], $0x40, s28, s20, $0xb8;
	[tilespmem:$0x17180] =	vst v63  }
0xd3: {  	_ =	swait.ge [sflag:s16], $0x2000  }
0xd4: {  	[sflag:s16] =	ssyncset.done $0x0  }
0xd5: {  	[sflag:s16] =	ssyncadd.s32 $0xFFFFE000  }
0xd6: {  	[spmem:s3] =	stream.indirect.scatter.add.f32 [tilespmem:s18], [sflag:$0x3], $0x10, s28, s20, $0xb8;
	[tilespmem:$0x17180] =	vst v63  }
0xd7: {  	_ =	swait.ge [sflag:s16], $0x800  }
0xd8: {  	[sflag:s16] =	ssyncset.done $0x0  }
0xd9: {  	s28 =	sadd.s32 $0x100, s26;
	[sflag:s16] =	ssyncadd.s32 $0xFFFFF800  }
0xda: {  	[tilespmem:s21], [sflag:$0x1] =	stream.indirect.gather [hbm4b:s5+s20], $0x40, s28, s20, $0xb8;
	[tilespmem:$0x17180] =	vst v63  }
0xdb: {  	_ =	swait.ge [sflag:s24], $0x2000  }
0xdc: {  	[sflag:s24] =	ssyncset.done $0x0  }
0xdd: {  	s31 =	sadd.s32 $0x3280, s26;
	[sflag:s24] =	ssyncadd.s32 $0xFFFFE000  }
0xde: {  	[spmem:s2] =	stream.indirect.scatter.add.f32 [tilespmem:s22], [sflag:$0x3], $0x40, s31, s20, $0xb8;
	[tilespmem:$0x17180] =	vst v63  }
0xdf: {  	_ =	swait.ge [sflag:s16], $0x2000  }
0xe0: {  	[sflag:s16] =	ssyncset.done $0x0  }
.Ltmp8:
0xe1: {  	[sflag:s16] =	ssyncadd.s32 $0xFFFFE000;
	(pc) =	sbr.rel .LBB2_9-.Ltmp8, $4  }
0xe2: {  	[spmem:s3] =	stream.indirect.scatter.add.f32 [tilespmem:s18], [sflag:$0x3], $0x10, s31, s20, $0xb8;
	[tilespmem:$0x17180] =	vst v63  }
0xe3: {  	_ =	swait.ge [sflag:s16], $0x800  }
0xe4: {  	s29 =	simm.s32 $0x3180;
	[sflag:s16] =	ssyncset.done $0x0  }
0xe5: {  	s26 =	simm.s32 $0x6380;
	s28 =	simm.s32 $0x6300;
	[sflag:s16] =	ssyncadd.s32 $0xFFFFF800  }
.LBB2_10:
0xe6: {  	_ =	sfence.sel $0x180000  }
0xe7: {  	[bflag:$0x0] =	sbarrier.arrive $0xFFFF  }
0xe8: {  	p0 =	sne.s32 s0, $0x0;
	_ =	strace $0x90000047  }
0xe9: {  	s0 =	sadd.s32 @!p0 $0x100000, s1;
	[bflag:$0x2] =	sbarrier.arrive $0xFFFF  }
0xea: {  	[sflag:s0] =	ssyncadd.tile.s32 @!p0 $0x1;
	_ =	shalt  }
.Lfunc_end2:
_tile_overlayer_lowered:
.L_overlay_start_2:
0xeb: {  	(tag) =	ssettag $0x2  }
0xec: {  	s0 =	rddreg [dreg:$0x0];
	s2 =	stileid.u32  }
0xed: {  	s1 =	rddreg [dreg:$0x1];
	p0 =	sne.s32 s2, $0x0  }
0xee: {  	s3 =	rddreg [dreg:$0x2];
	[bflag:$0x3] =	sbarrier.arrive $0xFFFF;
	s2 =	simm.s32 @!p0 $0x1C03  }
0xef: {  	[timem:s3], [sflag:s2] =	dma.local @!p0 [hbm:s0], s1  }
0xf0: {  	s0 =	simm.s32 @!p0 $0x3  }
0xf1: {  	_ =	swait.ge @!p0 [sflag:s0], s1  }
0xf2: {  	s1 =	ssub.s32 @!p0 $0x0, s1;
	[sflag:s0] =	ssyncset.done @!p0 $0x0  }
0xf3: {  	[sflag:s0] =	ssyncadd.s32 @!p0 s1  }
0xf4: {  	[bflag:$0x3] =	sbarrier.arrive $0xFFFF  }
0xf5: {  	_ =	shalt  }

</sc_bundles>
